<compile_context>
chip_gen: v7x
topology: tpu7x:2x2x1
jax: 0.10.2.dev20260603
libtpu: 0.0.44.dev20260713+nightly
codegen_flags: <defaults>
</compile_context>

<pallas_src>
import functools

import jax
import jax.numpy as jnp
from jax import lax
from jax.experimental import pallas as pl
from jax.experimental.pallas import tpu as pltpu
from jax.experimental.pallas import tpu_sc as plsc

L = 16
NC = 2
NS = 16
NW = NC * NS
K = 128
CH = 128


def _sc_spmm(n_pad, n_edges, use_diag):
    assert n_edges % (NW * K) == 0
    chunks = n_edges // (NW * K)
    e_per_w = n_edges // NW
    rpt = n_pad // NS
    assert n_pad % NS == 0 and rpt % K == 0 and rpt % 8 == 0

    mesh = plsc.VectorSubcoreMesh(core_axis_name="c", subcore_axis_name="s")

    scratch = [
        pltpu.VMEM((K,), jnp.int32),
        pltpu.VMEM((K,), jnp.int32),
        pltpu.VMEM((K,), jnp.float32),
        pltpu.VMEM((K, CH), jnp.float32),
        pltpu.VMEM_SHARED((n_pad, CH), jnp.float32),
        pltpu.SemaphoreType.DMA,
    ]
    if use_diag:
        scratch.append(pltpu.VMEM((n_pad,), jnp.float32))

    def body(*refs):
        if use_diag:
            (table, cols, rows, vals, diag, out,
             cidx, ridx, vv, rbuf, acc, sem, diag_v) = refs
        else:
            (table, cols, rows, vals, out,
             cidx, ridx, vv, rbuf, acc, sem) = refs
        c = lax.axis_index("c")
        s = lax.axis_index("s")
        w = s * NC + c

        def zero_row(i, _):
            for u in range(CH // L):
                rbuf[i, pl.ds(u * L, L)] = jnp.zeros((L,), jnp.float32)
            return 0
        lax.fori_loop(0, K, zero_row, 0)
        for t in range(rpt // K):
            pltpu.sync_copy(rbuf, acc.at[pl.ds(s * rpt + t * K, K)])
        if use_diag:
            pltpu.sync_copy(diag, diag_v)
        plsc.subcore_barrier()

        def chunk(j, _):
            base = w * e_per_w + j * K
            pltpu.sync_copy(cols.at[pl.ds(base, K)], cidx)
            pltpu.sync_copy(rows.at[pl.ds(base, K)], ridx)
            pltpu.sync_copy(vals.at[pl.ds(base, K)], vv)
            if use_diag:
                for g in range(K // L):
                    sl = pl.ds(g * L, L)
                    vv[sl] = vv[sl] * plsc.load_gather(diag_v, [cidx[sl]])
            pltpu.async_copy(table.at[cidx], rbuf, sem).wait()

            def scale(i, _):
                vvec = plsc.load_gather(vv, [jnp.broadcast_to(i, (L,))])
                for u in range(CH // L):
                    sl = pl.ds(u * L, L)
                    rbuf[i, sl] = rbuf[i, sl] * vvec
                return 0
            lax.fori_loop(0, K, scale, 0)
            pltpu.sync_copy(rbuf, acc.at[ridx], add=True)
            return 0
        lax.fori_loop(0, chunks, chunk, 0)

        plsc.subcore_barrier()
        pltpu.sync_copy(acc.at[pl.ds(s * rpt, rpt)],
                        out.at[c, pl.ds(s * rpt, rpt)])

    return pl.kernel(
        body,
        out_type=jax.ShapeDtypeStruct((NC, n_pad, CH), jnp.float32),
        mesh=mesh,
        scratch_types=scratch,
        compiler_params=pltpu.CompilerParams(needs_layout_passes=False),
    )


def _combine(parts, relu):
    n_pad = parts.shape[1]
    br = 512
    assert n_pad % br == 0

    def body(p_ref, o_ref):
        x = p_ref[0] + p_ref[1]
        if relu:
            x = jnp.maximum(x, 0.0)
        o_ref[...] = x

    return pl.pallas_call(
        body,
        grid=(n_pad // br,),
        in_specs=[pl.BlockSpec((2, br, CH), lambda i: (0, i, 0))],
        out_specs=pl.BlockSpec((br, CH), lambda i: (i, 0)),
        out_shape=jax.ShapeDtypeStruct((n_pad, CH), jnp.float32),
    )(parts)


def _pad_edges(cols, rows, vals, dummy_row):
    n = cols.shape[0]
    tgt = ((n + NW * K - 1) // (NW * K)) * (NW * K)
    pad = tgt - n
    if pad:
        cols = jnp.pad(cols, (0, pad))
        rows = jnp.pad(rows, (0, pad), constant_values=dummy_row)
        vals = jnp.pad(vals, (0, pad))
    return cols, rows, vals


def kernel(phi_indices, phi_values, phi_inverse_indices, phi_inverse_values,
           feature_indices, feature_values, weight_matrix,
           diagonal_weight_filter, dropout=0, device=0):
    n = diagonal_weight_filter.shape[0]
    n_pad = ((n + NS * K - 1) // (NS * K)) * (NS * K)

    fc, fr, fv = _pad_edges(feature_indices[1].astype(jnp.int32),
                            feature_indices[0].astype(jnp.int32),
                            feature_values, n)
    pa = _sc_spmm(n_pad, fc.shape[0], False)(weight_matrix, fc, fr, fv)
    filtered = _combine(pa, relu=False)

    ic = phi_inverse_indices[1].astype(jnp.int32)
    ir = phi_inverse_indices[0].astype(jnp.int32)
    ic, ir, iv = _pad_edges(ic, ir, phi_inverse_values, n)
    pb = _sc_spmm(n_pad, ic.shape[0], False)(filtered, ic, ir, iv)
    y1 = _combine(pb, relu=False)

    diag_pad = jnp.pad(diagonal_weight_filter.reshape(-1), (0, n_pad - n))
    pc_ = phi_indices[1].astype(jnp.int32)
    pr = phi_indices[0].astype(jnp.int32)
    pc_, pr, pv = _pad_edges(pc_, pr, phi_values, n)
    pcparts = _sc_spmm(n_pad, pc_.shape[0], True)(y1, pc_, pr, pv, diag_pad)
    out = _combine(pcparts, relu=True)
    return out[:n]

# --- scband reference (transcript-rebuilt; emitter-appended) ---
"""Pipeline reference for scband-sparse-graph-wavelet-layer-17952963297709 (READ-ONLY COPY).

The authoritative reference and input builder live on the scoring server;
editing this copy changes nothing except your own understanding.
"""

import jax, jax.numpy as jnp
import numpy as np

N = 10000
E = 320000
FNNZ = 200000
IN_CH = 128
OUT_CH = 128


def setup_inputs(seed: int = 0) -> dict:
    key = jax.random.key(seed)
    ks = jax.random.split(key, 12)
    phi_rows = jax.random.randint(ks[0], (E,), 0, N)
    phi_cols = jax.random.randint(ks[1], (E,), 0, N)
    phi_indices = jnp.stack([phi_rows, phi_cols], axis=0)
    phi_values = jax.random.uniform(ks[2], (E,), dtype=jnp.float32)
    phi_inv_rows = jax.random.randint(ks[3], (E,), 0, N)
    phi_inv_cols = jax.random.randint(ks[4], (E,), 0, N)
    phi_inverse_indices = jnp.stack([phi_inv_rows, phi_inv_cols], axis=0)
    phi_inverse_values = jax.random.uniform(ks[5], (E,), dtype=jnp.float32)
    feat_rows = jax.random.randint(ks[6], (FNNZ,), 0, N)
    feat_cols = jax.random.randint(ks[7], (FNNZ,), 0, IN_CH)
    feature_indices = jnp.stack([feat_rows, feat_cols], axis=0)
    feature_values = jax.random.uniform(ks[8], (FNNZ,), dtype=jnp.float32)
    # parameters (per GraphWaveletLayer.init_parameters)
    limit = float(np.sqrt(6.0 / (IN_CH + OUT_CH)))
    weight_matrix = jax.random.uniform(ks[9], (IN_CH, OUT_CH), minval=-limit, maxval=limit, dtype=jnp.float32)
    diagonal_weight_filter = jax.random.uniform(ks[10], (N, 1), minval=0.9, maxval=1.1, dtype=jnp.float32)
    return {
        "phi_indices": phi_indices,
        "phi_values": phi_values,
        "phi_inverse_indices": phi_inverse_indices,
        "phi_inverse_values": phi_inverse_values,
        "feature_indices": feature_indices,
        "feature_values": feature_values,
        "weight_matrix": weight_matrix,
        "diagonal_weight_filter": diagonal_weight_filter,
        "dropout": 0,
        "device": 0,
    }


def reference(phi_indices, phi_values, phi_inverse_indices, phi_inverse_values,
              feature_indices, feature_values, weight_matrix, diagonal_weight_filter,
              dropout=0, device=0):
    n = diagonal_weight_filter.shape[0]
    out_ch = weight_matrix.shape[1]
    diag = diagonal_weight_filter.reshape(-1)
    # rescaled_phi = phi @ diag(theta): scale each nnz by theta[col]
    rescaled_phi_values = phi_values * diag[phi_indices[1]]
    # filtered_features = spmm(feature, weight): sparse feature @ dense weight
    filtered = jnp.zeros((n, out_ch), dtype=phi_values.dtype).at[feature_indices[0]].add(
        feature_values[:, None] * weight_matrix[feature_indices[1]])
    # localized = (rescaled_phi @ phi_inverse) @ filtered == rescaled_phi @ (phi_inverse @ filtered)
    y1 = jnp.zeros((n, out_ch), dtype=phi_values.dtype).at[phi_inverse_indices[0]].add(
        phi_inverse_values[:, None] * filtered[phi_inverse_indices[1]])
    localized = jnp.zeros((n, out_ch), dtype=phi_values.dtype).at[phi_indices[0]].add(
        rescaled_phi_values[:, None] * y1[phi_indices[1]])
    # relu; dropout with p=0 (eval-equivalent) is the identity
    return jax.nn.relu(localized)

if __name__ == "__main__":
    import jax
    _d = setup_inputs()
    print(jax.jit(kernel)(*tuple(_d.values())))

</pallas_src>

<mosaic_0001>
#map = affine_map<(d0, d1) -> (0, 0)>
#map1 = affine_map<(d0, d1) -> (0)>
#map2 = affine_map<(d0, d1) -> (0, 0, 0)>
module attributes {stable_mosaic.version = 14 : i64} {
  func.func @body(%arg0: i32, %arg1: i32, %arg2: memref<10240x128xf32, #tpu.memory_space<hbm>>, %arg3: memref<323584xi32, #tpu.memory_space<hbm>>, %arg4: memref<323584xi32, #tpu.memory_space<hbm>>, %arg5: memref<323584xf32, #tpu.memory_space<hbm>>, %arg6: memref<10240xf32, #tpu.memory_space<hbm>>, %arg7: memref<2x10240x128xf32, #tpu.memory_space<hbm>>, %arg8: memref<128xi32, #tpu.memory_space<vmem>>, %arg9: memref<128xi32, #tpu.memory_space<vmem>>, %arg10: memref<128xf32, #tpu.memory_space<vmem>>, %arg11: memref<128x128xf32, #tpu.memory_space<vmem>>, %arg12: memref<10240x128xf32, #tpu.memory_space<vmem_shared>>, %arg13: memref<!tpu.dma_semaphore, #tpu.memory_space<semaphore_mem>>, %arg14: memref<10240xf32, #tpu.memory_space<vmem>>) attributes {dimension_semantics = [#tpu.dimension_semantics<core_parallel>, #tpu.dimension_semantics<subcore_parallel>], iteration_bounds = array<i64: 2, 16>, scalar_prefetch = 0 : i64, scratch_operands = 7 : i64, tpu.core_type = #tpu.core_type<sc_vector_subcore>, window_params = [{transform_indices = #map}, {transform_indices = #map1}, {transform_indices = #map1}, {transform_indices = #map1}, {transform_indices = #map1}, {transform_indices = #map2}]} {
    %mul3A = arith.constant 2 : i32
    %mul3A_0 = arith.muli %arg1, %mul3A : i32
    %add3A = arith.addi %mul3A_0, %arg0 : i32
    %scan3A = arith.constant 0 : i32
    %scan3A_1 = arith.constant 0 : i32
    %scan3A_2 = arith.constant 128 : i32
    %scan3A_3 = arith.addi %scan3A_1, %scan3A_2 : i32
    %scan3A_4 = arith.constant 1 : i32
    %scan3A_5 = scf.for %scan3A_39 = %scan3A_1 to %scan3A_3 step %scan3A_4 iter_args(%scan3A_40 = %scan3A) -> (i32)  : i32 {
      %broadcast_in_dim3A = arith.constant 0.000000e+00 : f32
      %broadcast_in_dim3A_41 = vector.broadcast %broadcast_in_dim3A : f32 to vector<16xf32>
      %swap3A = arith.index_cast %scan3A_39 : i32 to index
      %swap3A_42 = arith.constant 0 : index
      %swap3A_43 = tpu.vector_load %arg11[%swap3A, %swap3A_42] {strides = array<i32>} : memref<128x128xf32, #tpu.memory_space<vmem>>, vector<16xf32>,
      tpu.vector_store %arg11[%swap3A, %swap3A_42], %broadcast_in_dim3A_41 {strides = array<i32>} : memref<128x128xf32, #tpu.memory_space<vmem>>, vector<16xf32>,
      %broadcast_in_dim3A_44 = arith.constant 0.000000e+00 : f32
      %broadcast_in_dim3A_45 = vector.broadcast %broadcast_in_dim3A_44 : f32 to vector<16xf32>
      %swap3A_46 = arith.index_cast %scan3A_39 : i32 to index
      %swap3A_47 = arith.constant 16 : index
      %swap3A_48 = tpu.vector_load %arg11[%swap3A_46, %swap3A_47] {strides = array<i32>} : memref<128x128xf32, #tpu.memory_space<vmem>>, vector<16xf32>,
      tpu.vector_store %arg11[%swap3A_46, %swap3A_47], %broadcast_in_dim3A_45 {strides = array<i32>} : memref<128x128xf32, #tpu.memory_space<vmem>>, vector<16xf32>,
      %broadcast_in_dim3A_49 = arith.constant 0.000000e+00 : f32
      %broadcast_in_dim3A_50 = vector.broadcast %broadcast_in_dim3A_49 : f32 to vector<16xf32>
      %swap3A_51 = arith.index_cast %scan3A_39 : i32 to index
      %swap3A_52 = arith.constant 32 : index
      %swap3A_53 = tpu.vector_load %arg11[%swap3A_51, %swap3A_52] {strides = array<i32>} : memref<128x128xf32, #tpu.memory_space<vmem>>, vector<16xf32>,
      tpu.vector_store %arg11[%swap3A_51, %swap3A_52], %broadcast_in_dim3A_50 {strides = array<i32>} : memref<128x128xf32, #tpu.memory_space<vmem>>, vector<16xf32>,
      %broadcast_in_dim3A_54 = arith.constant 0.000000e+00 : f32
      %broadcast_in_dim3A_55 = vector.broadcast %broadcast_in_dim3A_54 : f32 to vector<16xf32>
      %swap3A_56 = arith.index_cast %scan3A_39 : i32 to index
      %swap3A_57 = arith.constant 48 : index
      %swap3A_58 = tpu.vector_load %arg11[%swap3A_56, %swap3A_57] {strides = array<i32>} : memref<128x128xf32, #tpu.memory_space<vmem>>, vector<16xf32>,
      tpu.vector_store %arg11[%swap3A_56, %swap3A_57], %broadcast_in_dim3A_55 {strides = array<i32>} : memref<128x128xf32, #tpu.memory_space<vmem>>, vector<16xf32>,
      %broadcast_in_dim3A_59 = arith.constant 0.000000e+00 : f32
      %broadcast_in_dim3A_60 = vector.broadcast %broadcast_in_dim3A_59 : f32 to vector<16xf32>
      %swap3A_61 = arith.index_cast %scan3A_39 : i32 to index
      %swap3A_62 = arith.constant 64 : index
      %swap3A_63 = tpu.vector_load %arg11[%swap3A_61, %swap3A_62] {strides = array<i32>} : memref<128x128xf32, #tpu.memory_space<vmem>>, vector<16xf32>,
      tpu.vector_store %arg11[%swap3A_61, %swap3A_62], %broadcast_in_dim3A_60 {strides = array<i32>} : memref<128x128xf32, #tpu.memory_space<vmem>>, vector<16xf32>,
      %broadcast_in_dim3A_64 = arith.constant 0.000000e+00 : f32
      %broadcast_in_dim3A_65 = vector.broadcast %broadcast_in_dim3A_64 : f32 to vector<16xf32>
      %swap3A_66 = arith.index_cast %scan3A_39 : i32 to index
      %swap3A_67 = arith.constant 80 : index
      %swap3A_68 = tpu.vector_load %arg11[%swap3A_66, %swap3A_67] {strides = array<i32>} : memref<128x128xf32, #tpu.memory_space<vmem>>, vector<16xf32>,
      tpu.vector_store %arg11[%swap3A_66, %swap3A_67], %broadcast_in_dim3A_65 {strides = array<i32>} : memref<128x128xf32, #tpu.memory_space<vmem>>, vector<16xf32>,
      %broadcast_in_dim3A_69 = arith.constant 0.000000e+00 : f32
      %broadcast_in_dim3A_70 = vector.broadcast %broadcast_in_dim3A_69 : f32 to vector<16xf32>
      %swap3A_71 = arith.index_cast %scan3A_39 : i32 to index
      %swap3A_72 = arith.constant 96 : index
      %swap3A_73 = tpu.vector_load %arg11[%swap3A_71, %swap3A_72] {strides = array<i32>} : memref<128x128xf32, #tpu.memory_space<vmem>>, vector<16xf32>,
      tpu.vector_store %arg11[%swap3A_71, %swap3A_72], %broadcast_in_dim3A_70 {strides = array<i32>} : memref<128x128xf32, #tpu.memory_space<vmem>>, vector<16xf32>,
      %broadcast_in_dim3A_74 = arith.constant 0.000000e+00 : f32
      %broadcast_in_dim3A_75 = vector.broadcast %broadcast_in_dim3A_74 : f32 to vector<16xf32>
      %swap3A_76 = arith.index_cast %scan3A_39 : i32 to index
      %swap3A_77 = arith.constant 112 : index
      %swap3A_78 = tpu.vector_load %arg11[%swap3A_76, %swap3A_77] {strides = array<i32>} : memref<128x128xf32, #tpu.memory_space<vmem>>, vector<16xf32>,
      tpu.vector_store %arg11[%swap3A_76, %swap3A_77], %broadcast_in_dim3A_75 {strides = array<i32>} : memref<128x128xf32, #tpu.memory_space<vmem>>, vector<16xf32>,
      %scan3A_79 = arith.constant 0 : i32
      scf.yield %scan3A_79 : i32
    }
    %scan3A_6 = arith.constant 128 : i32
    %mul3A_7 = arith.constant 640 : i32
    %mul3A_8 = arith.muli %arg1, %mul3A_7 : i32
    %add3A_9 = arith.constant 0 : i32
    %add3A_10 = arith.addi %mul3A_8, %add3A_9 : i32
    "tpu.region"() ({
      %run_scoped3A = tpu.sem_alloc : memref<!tpu.dma_semaphore, #tpu.memory_space<semaphore_mem>>
      %dma_start3A = arith.constant 0 : i32
      %dma_start3A_39 = tpu.memref_slice %arg12[%add3A_10, %dma_start3A] : memref<10240x128xf32, #tpu.memory_space<vmem_shared>> -> memref<128x128xf32, #tpu.memory_space<vmem_shared>>
      %dma_start3A_40 = arith.constant 0 : i32
      %dma_start3A_41 = tpu.memref_slice %arg12[%add3A_10, %dma_start3A_40] : memref<10240x128xf32, #tpu.memory_space<vmem_shared>> -> memref<128x128xf32, #tpu.memory_space<vmem_shared>>
      tpu.enqueue_dma source(%arg11 : memref<128x128xf32, #tpu.memory_space<vmem>>) target(%dma_start3A_41 : memref<128x128xf32, #tpu.memory_space<vmem_shared>>) target_semaphore(%run_scoped3A : memref<!tpu.dma_semaphore, #tpu.memory_space<semaphore_mem>>)
      %dma_wait3A = arith.constant 0 : i32
      %dma_wait3A_42 = tpu.memref_slice %arg12[%add3A_10, %dma_wait3A] : memref<10240x128xf32, #tpu.memory_space<vmem_shared>> -> memref<128x128xf32, #tpu.memory_space<vmem_shared>>
      %dma_wait3A_43 = arith.constant 0 : i32
      %dma_wait3A_44 = tpu.memref_slice %arg12[%add3A_10, %dma_wait3A_43] : memref<10240x128xf32, #tpu.memory_space<vmem_shared>> -> memref<128x128xf32, #tpu.memory_space<vmem_shared>>
      tpu.wait_dma2 semaphore(%run_scoped3A : memref<!tpu.dma_semaphore, #tpu.memory_space<semaphore_mem>>) src(%arg11 : memref<128x128xf32, #tpu.memory_space<vmem>>) dst(%dma_wait3A_44 : memref<128x128xf32, #tpu.memory_space<vmem_shared>>)
      tpu.yield
    }) : () -> ()
    %mul3A_11 = arith.constant 640 : i32
    %mul3A_12 = arith.muli %arg1, %mul3A_11 : i32
    %add3A_13 = arith.constant 128 : i32
    %add3A_14 = arith.addi %mul3A_12, %add3A_13 : i32
    "tpu.region"() ({
      %run_scoped3A = tpu.sem_alloc : memref<!tpu.dma_semaphore, #tpu.memory_space<semaphore_mem>>
      %dma_start3A = arith.constant 0 : i32
      %dma_start3A_39 = tpu.memref_slice %arg12[%add3A_14, %dma_start3A] : memref<10240x128xf32, #tpu.memory_space<vmem_shared>> -> memref<128x128xf32, #tpu.memory_space<vmem_shared>>
      %dma_start3A_40 = arith.constant 0 : i32
      %dma_start3A_41 = tpu.memref_slice %arg12[%add3A_14, %dma_start3A_40] : memref<10240x128xf32, #tpu.memory_space<vmem_shared>> -> memref<128x128xf32, #tpu.memory_space<vmem_shared>>
      tpu.enqueue_dma source(%arg11 : memref<128x128xf32, #tpu.memory_space<vmem>>) target(%dma_start3A_41 : memref<128x128xf32, #tpu.memory_space<vmem_shared>>) target_semaphore(%run_scoped3A : memref<!tpu.dma_semaphore, #tpu.memory_space<semaphore_mem>>)
      %dma_wait3A = arith.constant 0 : i32
      %dma_wait3A_42 = tpu.memref_slice %arg12[%add3A_14, %dma_wait3A] : memref<10240x128xf32, #tpu.memory_space<vmem_shared>> -> memref<128x128xf32, #tpu.memory_space<vmem_shared>>
      %dma_wait3A_43 = arith.constant 0 : i32
      %dma_wait3A_44 = tpu.memref_slice %arg12[%add3A_14, %dma_wait3A_43] : memref<10240x128xf32, #tpu.memory_space<vmem_shared>> -> memref<128x128xf32, #tpu.memory_space<vmem_shared>>
      tpu.wait_dma2 semaphore(%run_scoped3A : memref<!tpu.dma_semaphore, #tpu.memory_space<semaphore_mem>>) src(%arg11 : memref<128x128xf32, #tpu.memory_space<vmem>>) dst(%dma_wait3A_44 : memref<128x128xf32, #tpu.memory_space<vmem_shared>>)
      tpu.yield
    }) : () -> ()
    %mul3A_15 = arith.constant 640 : i32
    %mul3A_16 = arith.muli %arg1, %mul3A_15 : i32
    %add3A_17 = arith.constant 256 : i32
    %add3A_18 = arith.addi %mul3A_16, %add3A_17 : i32
    "tpu.region"() ({
      %run_scoped3A = tpu.sem_alloc : memref<!tpu.dma_semaphore, #tpu.memory_space<semaphore_mem>>
      %dma_start3A = arith.constant 0 : i32
      %dma_start3A_39 = tpu.memref_slice %arg12[%add3A_18, %dma_start3A] : memref<10240x128xf32, #tpu.memory_space<vmem_shared>> -> memref<128x128xf32, #tpu.memory_space<vmem_shared>>
      %dma_start3A_40 = arith.constant 0 : i32
      %dma_start3A_41 = tpu.memref_slice %arg12[%add3A_18, %dma_start3A_40] : memref<10240x128xf32, #tpu.memory_space<vmem_shared>> -> memref<128x128xf32, #tpu.memory_space<vmem_shared>>
      tpu.enqueue_dma source(%arg11 : memref<128x128xf32, #tpu.memory_space<vmem>>) target(%dma_start3A_41 : memref<128x128xf32, #tpu.memory_space<vmem_shared>>) target_semaphore(%run_scoped3A : memref<!tpu.dma_semaphore, #tpu.memory_space<semaphore_mem>>)
      %dma_wait3A = arith.constant 0 : i32
      %dma_wait3A_42 = tpu.memref_slice %arg12[%add3A_18, %dma_wait3A] : memref<10240x128xf32, #tpu.memory_space<vmem_shared>> -> memref<128x128xf32, #tpu.memory_space<vmem_shared>>
      %dma_wait3A_43 = arith.constant 0 : i32
      %dma_wait3A_44 = tpu.memref_slice %arg12[%add3A_18, %dma_wait3A_43] : memref<10240x128xf32, #tpu.memory_space<vmem_shared>> -> memref<128x128xf32, #tpu.memory_space<vmem_shared>>
      tpu.wait_dma2 semaphore(%run_scoped3A : memref<!tpu.dma_semaphore, #tpu.memory_space<semaphore_mem>>) src(%arg11 : memref<128x128xf32, #tpu.memory_space<vmem>>) dst(%dma_wait3A_44 : memref<128x128xf32, #tpu.memory_space<vmem_shared>>)
      tpu.yield
    }) : () -> ()
    %mul3A_19 = arith.constant 640 : i32
    %mul3A_20 = arith.muli %arg1, %mul3A_19 : i32
    %add3A_21 = arith.constant 384 : i32
    %add3A_22 = arith.addi %mul3A_20, %add3A_21 : i32
    "tpu.region"() ({
      %run_scoped3A = tpu.sem_alloc : memref<!tpu.dma_semaphore, #tpu.memory_space<semaphore_mem>>
      %dma_start3A = arith.constant 0 : i32
      %dma_start3A_39 = tpu.memref_slice %arg12[%add3A_22, %dma_start3A] : memref<10240x128xf32, #tpu.memory_space<vmem_shared>> -> memref<128x128xf32, #tpu.memory_space<vmem_shared>>
      %dma_start3A_40 = arith.constant 0 : i32
      %dma_start3A_41 = tpu.memref_slice %arg12[%add3A_22, %dma_start3A_40] : memref<10240x128xf32, #tpu.memory_space<vmem_shared>> -> memref<128x128xf32, #tpu.memory_space<vmem_shared>>
      tpu.enqueue_dma source(%arg11 : memref<128x128xf32, #tpu.memory_space<vmem>>) target(%dma_start3A_41 : memref<128x128xf32, #tpu.memory_space<vmem_shared>>) target_semaphore(%run_scoped3A : memref<!tpu.dma_semaphore, #tpu.memory_space<semaphore_mem>>)
      %dma_wait3A = arith.constant 0 : i32
      %dma_wait3A_42 = tpu.memref_slice %arg12[%add3A_22, %dma_wait3A] : memref<10240x128xf32, #tpu.memory_space<vmem_shared>> -> memref<128x128xf32, #tpu.memory_space<vmem_shared>>
      %dma_wait3A_43 = arith.constant 0 : i32
      %dma_wait3A_44 = tpu.memref_slice %arg12[%add3A_22, %dma_wait3A_43] : memref<10240x128xf32, #tpu.memory_space<vmem_shared>> -> memref<128x128xf32, #tpu.memory_space<vmem_shared>>
      tpu.wait_dma2 semaphore(%run_scoped3A : memref<!tpu.dma_semaphore, #tpu.memory_space<semaphore_mem>>) src(%arg11 : memref<128x128xf32, #tpu.memory_space<vmem>>) dst(%dma_wait3A_44 : memref<128x128xf32, #tpu.memory_space<vmem_shared>>)
      tpu.yield
    }) : () -> ()
    %mul3A_23 = arith.constant 640 : i32
    %mul3A_24 = arith.muli %arg1, %mul3A_23 : i32
    %add3A_25 = arith.constant 512 : i32
    %add3A_26 = arith.addi %mul3A_24, %add3A_25 : i32
    "tpu.region"() ({
      %run_scoped3A = tpu.sem_alloc : memref<!tpu.dma_semaphore, #tpu.memory_space<semaphore_mem>>
      %dma_start3A = arith.constant 0 : i32
      %dma_start3A_39 = tpu.memref_slice %arg12[%add3A_26, %dma_start3A] : memref<10240x128xf32, #tpu.memory_space<vmem_shared>> -> memref<128x128xf32, #tpu.memory_space<vmem_shared>>
      %dma_start3A_40 = arith.constant 0 : i32
      %dma_start3A_41 = tpu.memref_slice %arg12[%add3A_26, %dma_start3A_40] : memref<10240x128xf32, #tpu.memory_space<vmem_shared>> -> memref<128x128xf32, #tpu.memory_space<vmem_shared>>
      tpu.enqueue_dma source(%arg11 : memref<128x128xf32, #tpu.memory_space<vmem>>) target(%dma_start3A_41 : memref<128x128xf32, #tpu.memory_space<vmem_shared>>) target_semaphore(%run_scoped3A : memref<!tpu.dma_semaphore, #tpu.memory_space<semaphore_mem>>)
      %dma_wait3A = arith.constant 0 : i32
      %dma_wait3A_42 = tpu.memref_slice %arg12[%add3A_26, %dma_wait3A] : memref<10240x128xf32, #tpu.memory_space<vmem_shared>> -> memref<128x128xf32, #tpu.memory_space<vmem_shared>>
      %dma_wait3A_43 = arith.constant 0 : i32
      %dma_wait3A_44 = tpu.memref_slice %arg12[%add3A_26, %dma_wait3A_43] : memref<10240x128xf32, #tpu.memory_space<vmem_shared>> -> memref<128x128xf32, #tpu.memory_space<vmem_shared>>
      tpu.wait_dma2 semaphore(%run_scoped3A : memref<!tpu.dma_semaphore, #tpu.memory_space<semaphore_mem>>) src(%arg11 : memref<128x128xf32, #tpu.memory_space<vmem>>) dst(%dma_wait3A_44 : memref<128x128xf32, #tpu.memory_space<vmem_shared>>)
      tpu.yield
    }) : () -> ()
    "tpu.region"() ({
      %run_scoped3A = tpu.sem_alloc : memref<!tpu.dma_semaphore, #tpu.memory_space<semaphore_mem>>
      tpu.enqueue_dma source(%arg6 : memref<10240xf32, #tpu.memory_space<hbm>>) target(%arg14 : memref<10240xf32, #tpu.memory_space<vmem>>) target_semaphore(%run_scoped3A : memref<!tpu.dma_semaphore, #tpu.memory_space<semaphore_mem>>)
      tpu.wait_dma2 semaphore(%run_scoped3A : memref<!tpu.dma_semaphore, #tpu.memory_space<semaphore_mem>>) src(%arg6 : memref<10240xf32, #tpu.memory_space<hbm>>) dst(%arg14 : memref<10240xf32, #tpu.memory_space<vmem>>)
      tpu.yield
    }) : () -> ()
    %barrier3A = arith.constant 0 : index
    tpu.barrier barrier_id(%barrier3A)
    %scan3A_27 = arith.constant 0 : i32
    %scan3A_28 = arith.constant 0 : i32
    %scan3A_29 = arith.constant 79 : i32
    %scan3A_30 = arith.addi %scan3A_28, %scan3A_29 : i32
    %scan3A_31 = arith.constant 1 : i32
    %scan3A_32 = scf.for %scan3A_39 = %scan3A_28 to %scan3A_30 step %scan3A_31 iter_args(%scan3A_40 = %scan3A_27) -> (i32)  : i32 {
      %mul3A_41 = arith.constant 10112 : i32
      %mul3A_42 = arith.muli %add3A, %mul3A_41 : i32
      %mul3A_43 = arith.constant 128 : i32
      %mul3A_44 = arith.muli %scan3A_39, %mul3A_43 : i32
      %add3A_45 = arith.addi %mul3A_42, %mul3A_44 : i32
      "tpu.region"() ({
        %run_scoped3A = tpu.sem_alloc : memref<!tpu.dma_semaphore, #tpu.memory_space<semaphore_mem>>
        %dma_start3A_119 = tpu.memref_slice %arg3[%add3A_45] : memref<323584xi32, #tpu.memory_space<hbm>> -> memref<128xi32, #tpu.memory_space<hbm>>
        %dma_start3A_120 = tpu.memref_slice %arg3[%add3A_45] : memref<323584xi32, #tpu.memory_space<hbm>> -> memref<128xi32, #tpu.memory_space<hbm>>
        tpu.enqueue_dma source(%dma_start3A_120 : memref<128xi32, #tpu.memory_space<hbm>>) target(%arg8 : memref<128xi32, #tpu.memory_space<vmem>>) target_semaphore(%run_scoped3A : memref<!tpu.dma_semaphore, #tpu.memory_space<semaphore_mem>>)
        %dma_wait3A_121 = tpu.memref_slice %arg3[%add3A_45] : memref<323584xi32, #tpu.memory_space<hbm>> -> memref<128xi32, #tpu.memory_space<hbm>>
        %dma_wait3A_122 = tpu.memref_slice %arg3[%add3A_45] : memref<323584xi32, #tpu.memory_space<hbm>> -> memref<128xi32, #tpu.memory_space<hbm>>
        tpu.wait_dma2 semaphore(%run_scoped3A : memref<!tpu.dma_semaphore, #tpu.memory_space<semaphore_mem>>) src(%dma_wait3A_122 : memref<128xi32, #tpu.memory_space<hbm>>) dst(%arg8 : memref<128xi32, #tpu.memory_space<vmem>>)
        tpu.yield
      }) : () -> ()
      "tpu.region"() ({
        %run_scoped3A = tpu.sem_alloc : memref<!tpu.dma_semaphore, #tpu.memory_space<semaphore_mem>>
        %dma_start3A_119 = tpu.memref_slice %arg4[%add3A_45] : memref<323584xi32, #tpu.memory_space<hbm>> -> memref<128xi32, #tpu.memory_space<hbm>>
        %dma_start3A_120 = tpu.memref_slice %arg4[%add3A_45] : memref<323584xi32, #tpu.memory_space<hbm>> -> memref<128xi32, #tpu.memory_space<hbm>>
        tpu.enqueue_dma source(%dma_start3A_120 : memref<128xi32, #tpu.memory_space<hbm>>) target(%arg9 : memref<128xi32, #tpu.memory_space<vmem>>) target_semaphore(%run_scoped3A : memref<!tpu.dma_semaphore, #tpu.memory_space<semaphore_mem>>)
        %dma_wait3A_121 = tpu.memref_slice %arg4[%add3A_45] : memref<323584xi32, #tpu.memory_space<hbm>> -> memref<128xi32, #tpu.memory_space<hbm>>
        %dma_wait3A_122 = tpu.memref_slice %arg4[%add3A_45] : memref<323584xi32, #tpu.memory_space<hbm>> -> memref<128xi32, #tpu.memory_space<hbm>>
        tpu.wait_dma2 semaphore(%run_scoped3A : memref<!tpu.dma_semaphore, #tpu.memory_space<semaphore_mem>>) src(%dma_wait3A_122 : memref<128xi32, #tpu.memory_space<hbm>>) dst(%arg9 : memref<128xi32, #tpu.memory_space<vmem>>)
        tpu.yield
      }) : () -> ()
      "tpu.region"() ({
        %run_scoped3A = tpu.sem_alloc : memref<!tpu.dma_semaphore, #tpu.memory_space<semaphore_mem>>
        %dma_start3A_119 = tpu.memref_slice %arg5[%add3A_45] : memref<323584xf32, #tpu.memory_space<hbm>> -> memref<128xf32, #tpu.memory_space<hbm>>
        %dma_start3A_120 = tpu.memref_slice %arg5[%add3A_45] : memref<323584xf32, #tpu.memory_space<hbm>> -> memref<128xf32, #tpu.memory_space<hbm>>
        tpu.enqueue_dma source(%dma_start3A_120 : memref<128xf32, #tpu.memory_space<hbm>>) target(%arg10 : memref<128xf32, #tpu.memory_space<vmem>>) target_semaphore(%run_scoped3A : memref<!tpu.dma_semaphore, #tpu.memory_space<semaphore_mem>>)
        %dma_wait3A_121 = tpu.memref_slice %arg5[%add3A_45] : memref<323584xf32, #tpu.memory_space<hbm>> -> memref<128xf32, #tpu.memory_space<hbm>>
        %dma_wait3A_122 = tpu.memref_slice %arg5[%add3A_45] : memref<323584xf32, #tpu.memory_space<hbm>> -> memref<128xf32, #tpu.memory_space<hbm>>
        tpu.wait_dma2 semaphore(%run_scoped3A : memref<!tpu.dma_semaphore, #tpu.memory_space<semaphore_mem>>) src(%dma_wait3A_122 : memref<128xf32, #tpu.memory_space<hbm>>) dst(%arg10 : memref<128xf32, #tpu.memory_space<vmem>>)
        tpu.yield
      }) : () -> ()
      %get3A = arith.constant 0 : index
      %get3A_46 = tpu.vector_load %arg10[%get3A] {strides = array<i32>} : memref<128xf32, #tpu.memory_space<vmem>>, vector<16xf32>,
      %get3A_47 = arith.constant 0 : index
      %get3A_48 = tpu.vector_load %arg8[%get3A_47] {strides = array<i32>} : memref<128xi32, #tpu.memory_space<vmem>>, vector<16xi32>,
      %gather3A = tpu.vector_load_idx %arg14[%get3A_48] : memref<10240xf32, #tpu.memory_space<vmem>>[vector<16xi32>], vector<16xf32>,
      %mul3A_49 = arith.mulf %get3A_46, %gather3A : vector<16xf32>
      %swap3A = arith.constant 0 : index
      %swap3A_50 = tpu.vector_load %arg10[%swap3A] {strides = array<i32>} : memref<128xf32, #tpu.memory_space<vmem>>, vector<16xf32>,
      tpu.vector_store %arg10[%swap3A], %mul3A_49 {strides = array<i32>} : memref<128xf32, #tpu.memory_space<vmem>>, vector<16xf32>,
      %get3A_51 = arith.constant 16 : index
      %get3A_52 = tpu.vector_load %arg10[%get3A_51] {strides = array<i32>} : memref<128xf32, #tpu.memory_space<vmem>>, vector<16xf32>,
      %get3A_53 = arith.constant 16 : index
      %get3A_54 = tpu.vector_load %arg8[%get3A_53] {strides = array<i32>} : memref<128xi32, #tpu.memory_space<vmem>>, vector<16xi32>,
      %gather3A_55 = tpu.vector_load_idx %arg14[%get3A_54] : memref<10240xf32, #tpu.memory_space<vmem>>[vector<16xi32>], vector<16xf32>,
      %mul3A_56 = arith.mulf %get3A_52, %gather3A_55 : vector<16xf32>
      %swap3A_57 = arith.constant 16 : index
      %swap3A_58 = tpu.vector_load %arg10[%swap3A_57] {strides = array<i32>} : memref<128xf32, #tpu.memory_space<vmem>>, vector<16xf32>,
      tpu.vector_store %arg10[%swap3A_57], %mul3A_56 {strides = array<i32>} : memref<128xf32, #tpu.memory_space<vmem>>, vector<16xf32>,
      %get3A_59 = arith.constant 32 : index
      %get3A_60 = tpu.vector_load %arg10[%get3A_59] {strides = array<i32>} : memref<128xf32, #tpu.memory_space<vmem>>, vector<16xf32>,
      %get3A_61 = arith.constant 32 : index
      %get3A_62 = tpu.vector_load %arg8[%get3A_61] {strides = array<i32>} : memref<128xi32, #tpu.memory_space<vmem>>, vector<16xi32>,
      %gather3A_63 = tpu.vector_load_idx %arg14[%get3A_62] : memref<10240xf32, #tpu.memory_space<vmem>>[vector<16xi32>], vector<16xf32>,
      %mul3A_64 = arith.mulf %get3A_60, %gather3A_63 : vector<16xf32>
      %swap3A_65 = arith.constant 32 : index
      %swap3A_66 = tpu.vector_load %arg10[%swap3A_65] {strides = array<i32>} : memref<128xf32, #tpu.memory_space<vmem>>, vector<16xf32>,
      tpu.vector_store %arg10[%swap3A_65], %mul3A_64 {strides = array<i32>} : memref<128xf32, #tpu.memory_space<vmem>>, vector<16xf32>,
      %get3A_67 = arith.constant 48 : index
      %get3A_68 = tpu.vector_load %arg10[%get3A_67] {strides = array<i32>} : memref<128xf32, #tpu.memory_space<vmem>>, vector<16xf32>,
      %get3A_69 = arith.constant 48 : index
      %get3A_70 = tpu.vector_load %arg8[%get3A_69] {strides = array<i32>} : memref<128xi32, #tpu.memory_space<vmem>>, vector<16xi32>,
      %gather3A_71 = tpu.vector_load_idx %arg14[%get3A_70] : memref<10240xf32, #tpu.memory_space<vmem>>[vector<16xi32>], vector<16xf32>,
      %mul3A_72 = arith.mulf %get3A_68, %gather3A_71 : vector<16xf32>
      %swap3A_73 = arith.constant 48 : index
      %swap3A_74 = tpu.vector_load %arg10[%swap3A_73] {strides = array<i32>} : memref<128xf32, #tpu.memory_space<vmem>>, vector<16xf32>,
      tpu.vector_store %arg10[%swap3A_73], %mul3A_72 {strides = array<i32>} : memref<128xf32, #tpu.memory_space<vmem>>, vector<16xf32>,
      %get3A_75 = arith.constant 64 : index
      %get3A_76 = tpu.vector_load %arg10[%get3A_75] {strides = array<i32>} : memref<128xf32, #tpu.memory_space<vmem>>, vector<16xf32>,
      %get3A_77 = arith.constant 64 : index
      %get3A_78 = tpu.vector_load %arg8[%get3A_77] {strides = array<i32>} : memref<128xi32, #tpu.memory_space<vmem>>, vector<16xi32>,
      %gather3A_79 = tpu.vector_load_idx %arg14[%get3A_78] : memref<10240xf32, #tpu.memory_space<vmem>>[vector<16xi32>], vector<16xf32>,
      %mul3A_80 = arith.mulf %get3A_76, %gather3A_79 : vector<16xf32>
      %swap3A_81 = arith.constant 64 : index
      %swap3A_82 = tpu.vector_load %arg10[%swap3A_81] {strides = array<i32>} : memref<128xf32, #tpu.memory_space<vmem>>, vector<16xf32>,
      tpu.vector_store %arg10[%swap3A_81], %mul3A_80 {strides = array<i32>} : memref<128xf32, #tpu.memory_space<vmem>>, vector<16xf32>,
      %get3A_83 = arith.constant 80 : index
      %get3A_84 = tpu.vector_load %arg10[%get3A_83] {strides = array<i32>} : memref<128xf32, #tpu.memory_space<vmem>>, vector<16xf32>,
      %get3A_85 = arith.constant 80 : index
      %get3A_86 = tpu.vector_load %arg8[%get3A_85] {strides = array<i32>} : memref<128xi32, #tpu.memory_space<vmem>>, vector<16xi32>,
      %gather3A_87 = tpu.vector_load_idx %arg14[%get3A_86] : memref<10240xf32, #tpu.memory_space<vmem>>[vector<16xi32>], vector<16xf32>,
      %mul3A_88 = arith.mulf %get3A_84, %gather3A_87 : vector<16xf32>
      %swap3A_89 = arith.constant 80 : index
      %swap3A_90 = tpu.vector_load %arg10[%swap3A_89] {strides = array<i32>} : memref<128xf32, #tpu.memory_space<vmem>>, vector<16xf32>,
      tpu.vector_store %arg10[%swap3A_89], %mul3A_88 {strides = array<i32>} : memref<128xf32, #tpu.memory_space<vmem>>, vector<16xf32>,
      %get3A_91 = arith.constant 96 : index
      %get3A_92 = tpu.vector_load %arg10[%get3A_91] {strides = array<i32>} : memref<128xf32, #tpu.memory_space<vmem>>, vector<16xf32>,
      %get3A_93 = arith.constant 96 : index
      %get3A_94 = tpu.vector_load %arg8[%get3A_93] {strides = array<i32>} : memref<128xi32, #tpu.memory_space<vmem>>, vector<16xi32>,
      %gather3A_95 = tpu.vector_load_idx %arg14[%get3A_94] : memref<10240xf32, #tpu.memory_space<vmem>>[vector<16xi32>], vector<16xf32>,
      %mul3A_96 = arith.mulf %get3A_92, %gather3A_95 : vector<16xf32>
      %swap3A_97 = arith.constant 96 : index
      %swap3A_98 = tpu.vector_load %arg10[%swap3A_97] {strides = array<i32>} : memref<128xf32, #tpu.memory_space<vmem>>, vector<16xf32>,
      tpu.vector_store %arg10[%swap3A_97], %mul3A_96 {strides = array<i32>} : memref<128xf32, #tpu.memory_space<vmem>>, vector<16xf32>,
      %get3A_99 = arith.constant 112 : index
      %get3A_100 = tpu.vector_load %arg10[%get3A_99] {strides = array<i32>} : memref<128xf32, #tpu.memory_space<vmem>>, vector<16xf32>,
      %get3A_101 = arith.constant 112 : index
      %get3A_102 = tpu.vector_load %arg8[%get3A_101] {strides = array<i32>} : memref<128xi32, #tpu.memory_space<vmem>>, vector<16xi32>,
      %gather3A_103 = tpu.vector_load_idx %arg14[%get3A_102] : memref<10240xf32, #tpu.memory_space<vmem>>[vector<16xi32>], vector<16xf32>,
      %mul3A_104 = arith.mulf %get3A_100, %gather3A_103 : vector<16xf32>
      %swap3A_105 = arith.constant 112 : index
      %swap3A_106 = tpu.vector_load %arg10[%swap3A_105] {strides = array<i32>} : memref<128xf32, #tpu.memory_space<vmem>>, vector<16xf32>,
      tpu.vector_store %arg10[%swap3A_105], %mul3A_104 {strides = array<i32>} : memref<128xf32, #tpu.memory_space<vmem>>, vector<16xf32>,
      %dma_start3A = arith.constant 0 : i32
      %dma_start3A_107 = arith.constant 0 : i32
      %dma_start3A_108 = tpu.memref_slice %arg2[%dma_start3A, %dma_start3A_107] : memref<10240x128xf32, #tpu.memory_space<hbm>> -> memref<10240x128xf32, #tpu.memory_space<hbm>>
      tpu.enqueue_indirect_dma source(%dma_start3A_108 : memref<10240x128xf32, #tpu.memory_space<hbm>>) target(%arg11 : memref<128x128xf32, #tpu.memory_space<vmem>>) offsets(%arg8 : memref<128xi32, #tpu.memory_space<vmem>>) semaphore(%arg13 : memref<!tpu.dma_semaphore, #tpu.memory_space<semaphore_mem>>)
      %dma_wait3A = arith.constant 0 : i32
      %dma_wait3A_109 = arith.constant 0 : i32
      %dma_wait3A_110 = tpu.memref_slice %arg2[%dma_wait3A, %dma_wait3A_109] : memref<10240x128xf32, #tpu.memory_space<hbm>> -> memref<10240x128xf32, #tpu.memory_space<hbm>>
      tpu.wait_indirect_dma semaphore(%arg13 : memref<!tpu.dma_semaphore, #tpu.memory_space<semaphore_mem>>) src(%dma_wait3A_110 : memref<10240x128xf32, #tpu.memory_space<hbm>>) dst(%arg11 : memref<128x128xf32, #tpu.memory_space<vmem>>)
      %scan3A_111 = arith.constant 0 : i32
      %scan3A_112 = arith.constant 0 : i32
      %scan3A_113 = arith.constant 128 : i32
      %scan3A_114 = arith.addi %scan3A_112, %scan3A_113 : i32
      %scan3A_115 = arith.constant 1 : i32
      %scan3A_116 = scf.for %scan3A_119 = %scan3A_112 to %scan3A_114 step %scan3A_115 iter_args(%scan3A_120 = %scan3A_111) -> (i32)  : i32 {
        %broadcast_in_dim3A = vector.broadcast %scan3A_119 : i32 to vector<16xi32>
        %gather3A_121 = tpu.vector_load_idx %arg10[%broadcast_in_dim3A] : memref<128xf32, #tpu.memory_space<vmem>>[vector<16xi32>], vector<16xf32>,
        %get3A_122 = arith.index_cast %scan3A_119 : i32 to index
        %get3A_123 = arith.constant 0 : index
        %get3A_124 = tpu.vector_load %arg11[%get3A_122, %get3A_123] {strides = array<i32>} : memref<128x128xf32, #tpu.memory_space<vmem>>, vector<16xf32>,
        %mul3A_125 = arith.mulf %get3A_124, %gather3A_121 : vector<16xf32>
        %swap3A_126 = arith.index_cast %scan3A_119 : i32 to index
        %swap3A_127 = arith.constant 0 : index
        %swap3A_128 = tpu.vector_load %arg11[%swap3A_126, %swap3A_127] {strides = array<i32>} : memref<128x128xf32, #tpu.memory_space<vmem>>, vector<16xf32>,
        tpu.vector_store %arg11[%swap3A_126, %swap3A_127], %mul3A_125 {strides = array<i32>} : memref<128x128xf32, #tpu.memory_space<vmem>>, vector<16xf32>,
        %get3A_129 = arith.index_cast %scan3A_119 : i32 to index
        %get3A_130 = arith.constant 16 : index
        %get3A_131 = tpu.vector_load %arg11[%get3A_129, %get3A_130] {strides = array<i32>} : memref<128x128xf32, #tpu.memory_space<vmem>>, vector<16xf32>,
        %mul3A_132 = arith.mulf %get3A_131, %gather3A_121 : vector<16xf32>
        %swap3A_133 = arith.index_cast %scan3A_119 : i32 to index
        %swap3A_134 = arith.constant 16 : index
        %swap3A_135 = tpu.vector_load %arg11[%swap3A_133, %swap3A_134] {strides = array<i32>} : memref<128x128xf32, #tpu.memory_space<vmem>>, vector<16xf32>,
        tpu.vector_store %arg11[%swap3A_133, %swap3A_134], %mul3A_132 {strides = array<i32>} : memref<128x128xf32, #tpu.memory_space<vmem>>, vector<16xf32>,
        %get3A_136 = arith.index_cast %scan3A_119 : i32 to index
        %get3A_137 = arith.constant 32 : index
        %get3A_138 = tpu.vector_load %arg11[%get3A_136, %get3A_137] {strides = array<i32>} : memref<128x128xf32, #tpu.memory_space<vmem>>, vector<16xf32>,
        %mul3A_139 = arith.mulf %get3A_138, %gather3A_121 : vector<16xf32>
        %swap3A_140 = arith.index_cast %scan3A_119 : i32 to index
        %swap3A_141 = arith.constant 32 : index
        %swap3A_142 = tpu.vector_load %arg11[%swap3A_140, %swap3A_141] {strides = array<i32>} : memref<128x128xf32, #tpu.memory_space<vmem>>, vector<16xf32>,
        tpu.vector_store %arg11[%swap3A_140, %swap3A_141], %mul3A_139 {strides = array<i32>} : memref<128x128xf32, #tpu.memory_space<vmem>>, vector<16xf32>,
        %get3A_143 = arith.index_cast %scan3A_119 : i32 to index
        %get3A_144 = arith.constant 48 : index
        %get3A_145 = tpu.vector_load %arg11[%get3A_143, %get3A_144] {strides = array<i32>} : memref<128x128xf32, #tpu.memory_space<vmem>>, vector<16xf32>,
        %mul3A_146 = arith.mulf %get3A_145, %gather3A_121 : vector<16xf32>
        %swap3A_147 = arith.index_cast %scan3A_119 : i32 to index
        %swap3A_148 = arith.constant 48 : index
        %swap3A_149 = tpu.vector_load %arg11[%swap3A_147, %swap3A_148] {strides = array<i32>} : memref<128x128xf32, #tpu.memory_space<vmem>>, vector<16xf32>,
        tpu.vector_store %arg11[%swap3A_147, %swap3A_148], %mul3A_146 {strides = array<i32>} : memref<128x128xf32, #tpu.memory_space<vmem>>, vector<16xf32>,
        %get3A_150 = arith.index_cast %scan3A_119 : i32 to index
        %get3A_151 = arith.constant 64 : index
        %get3A_152 = tpu.vector_load %arg11[%get3A_150, %get3A_151] {strides = array<i32>} : memref<128x128xf32, #tpu.memory_space<vmem>>, vector<16xf32>,
        %mul3A_153 = arith.mulf %get3A_152, %gather3A_121 : vector<16xf32>
        %swap3A_154 = arith.index_cast %scan3A_119 : i32 to index
        %swap3A_155 = arith.constant 64 : index
        %swap3A_156 = tpu.vector_load %arg11[%swap3A_154, %swap3A_155] {strides = array<i32>} : memref<128x128xf32, #tpu.memory_space<vmem>>, vector<16xf32>,
        tpu.vector_store %arg11[%swap3A_154, %swap3A_155], %mul3A_153 {strides = array<i32>} : memref<128x128xf32, #tpu.memory_space<vmem>>, vector<16xf32>,
        %get3A_157 = arith.index_cast %scan3A_119 : i32 to index
        %get3A_158 = arith.constant 80 : index
        %get3A_159 = tpu.vector_load %arg11[%get3A_157, %get3A_158] {strides = array<i32>} : memref<128x128xf32, #tpu.memory_space<vmem>>, vector<16xf32>,
        %mul3A_160 = arith.mulf %get3A_159, %gather3A_121 : vector<16xf32>
        %swap3A_161 = arith.index_cast %scan3A_119 : i32 to index
        %swap3A_162 = arith.constant 80 : index
        %swap3A_163 = tpu.vector_load %arg11[%swap3A_161, %swap3A_162] {strides = array<i32>} : memref<128x128xf32, #tpu.memory_space<vmem>>, vector<16xf32>,
        tpu.vector_store %arg11[%swap3A_161, %swap3A_162], %mul3A_160 {strides = array<i32>} : memref<128x128xf32, #tpu.memory_space<vmem>>, vector<16xf32>,
        %get3A_164 = arith.index_cast %scan3A_119 : i32 to index
        %get3A_165 = arith.constant 96 : index
        %get3A_166 = tpu.vector_load %arg11[%get3A_164, %get3A_165] {strides = array<i32>} : memref<128x128xf32, #tpu.memory_space<vmem>>, vector<16xf32>,
        %mul3A_167 = arith.mulf %get3A_166, %gather3A_121 : vector<16xf32>
        %swap3A_168 = arith.index_cast %scan3A_119 : i32 to index
        %swap3A_169 = arith.constant 96 : index
        %swap3A_170 = tpu.vector_load %arg11[%swap3A_168, %swap3A_169] {strides = array<i32>} : memref<128x128xf32, #tpu.memory_space<vmem>>, vector<16xf32>,
        tpu.vector_store %arg11[%swap3A_168, %swap3A_169], %mul3A_167 {strides = array<i32>} : memref<128x128xf32, #tpu.memory_space<vmem>>, vector<16xf32>,
        %get3A_171 = arith.index_cast %scan3A_119 : i32 to index
        %get3A_172 = arith.constant 112 : index
        %get3A_173 = tpu.vector_load %arg11[%get3A_171, %get3A_172] {strides = array<i32>} : memref<128x128xf32, #tpu.memory_space<vmem>>, vector<16xf32>,
        %mul3A_174 = arith.mulf %get3A_173, %gather3A_121 : vector<16xf32>
        %swap3A_175 = arith.index_cast %scan3A_119 : i32 to index
        %swap3A_176 = arith.constant 112 : index
        %swap3A_177 = tpu.vector_load %arg11[%swap3A_175, %swap3A_176] {strides = array<i32>} : memref<128x128xf32, #tpu.memory_space<vmem>>, vector<16xf32>,
        tpu.vector_store %arg11[%swap3A_175, %swap3A_176], %mul3A_174 {strides = array<i32>} : memref<128x128xf32, #tpu.memory_space<vmem>>, vector<16xf32>,
        %scan3A_178 = arith.constant 0 : i32
        scf.yield %scan3A_178 : i32
      }
      %scan3A_117 = arith.constant 128 : i32
      "tpu.region"() ({
        %run_scoped3A = tpu.sem_alloc : memref<!tpu.dma_semaphore, #tpu.memory_space<semaphore_mem>>
        %dma_start3A_119 = arith.constant 0 : i32
        %dma_start3A_120 = arith.constant 0 : i32
        %dma_start3A_121 = tpu.memref_slice %arg12[%dma_start3A_119, %dma_start3A_120] : memref<10240x128xf32, #tpu.memory_space<vmem_shared>> -> memref<10240x128xf32, #tpu.memory_space<vmem_shared>>
        tpu.enqueue_indirect_dma source(%arg11 : memref<128x128xf32, #tpu.memory_space<vmem>>) target(%dma_start3A_121 : memref<10240x128xf32, #tpu.memory_space<vmem_shared>>) offsets(%arg9 : memref<128xi32, #tpu.memory_space<vmem>>) semaphore(%run_scoped3A : memref<!tpu.dma_semaphore, #tpu.memory_space<semaphore_mem>>) {add = true}
        %dma_wait3A_122 = arith.constant 0 : i32
        %dma_wait3A_123 = arith.constant 0 : i32
        %dma_wait3A_124 = tpu.memref_slice %arg12[%dma_wait3A_122, %dma_wait3A_123] : memref<10240x128xf32, #tpu.memory_space<vmem_shared>> -> memref<10240x128xf32, #tpu.memory_space<vmem_shared>>
        tpu.wait_indirect_dma semaphore(%run_scoped3A : memref<!tpu.dma_semaphore, #tpu.memory_space<semaphore_mem>>) src(%arg11 : memref<128x128xf32, #tpu.memory_space<vmem>>) dst(%dma_wait3A_124 : memref<10240x128xf32, #tpu.memory_space<vmem_shared>>)
        tpu.yield
      }) : () -> ()
      %scan3A_118 = arith.constant 0 : i32
      scf.yield %scan3A_118 : i32
    }
    %scan3A_33 = arith.constant 79 : i32
    %barrier3A_34 = arith.constant 0 : index
    tpu.barrier barrier_id(%barrier3A_34)
    %mul3A_35 = arith.constant 640 : i32
    %mul3A_36 = arith.muli %arg1, %mul3A_35 : i32
    %mul3A_37 = arith.constant 640 : i32
    %mul3A_38 = arith.muli %arg1, %mul3A_37 : i32
    "tpu.region"() ({
      %run_scoped3A = tpu.sem_alloc : memref<!tpu.dma_semaphore, #tpu.memory_space<semaphore_mem>>
      %dma_start3A = arith.constant 0 : i32
      %dma_start3A_39 = tpu.memref_slice %arg7[%arg0, %mul3A_38, %dma_start3A] : memref<2x10240x128xf32, #tpu.memory_space<hbm>> -> memref<1x640x128xf32, #tpu.memory_space<hbm>>
      %dma_start3A_40 = tpu.memref_squeeze %dma_start3A_39 : memref<1x640x128xf32, #tpu.memory_space<hbm>> -> memref<640x128xf32, #tpu.memory_space<hbm>>
      %dma_start3A_41 = arith.constant 0 : i32
      %dma_start3A_42 = tpu.memref_slice %arg12[%mul3A_36, %dma_start3A_41] : memref<10240x128xf32, #tpu.memory_space<vmem_shared>> -> memref<640x128xf32, #tpu.memory_space<vmem_shared>>
      tpu.enqueue_dma source(%dma_start3A_42 : memref<640x128xf32, #tpu.memory_space<vmem_shared>>) target(%dma_start3A_40 : memref<640x128xf32, #tpu.memory_space<hbm>>) target_semaphore(%run_scoped3A : memref<!tpu.dma_semaphore, #tpu.memory_space<semaphore_mem>>)
      %dma_wait3A = arith.constant 0 : i32
      %dma_wait3A_43 = tpu.memref_slice %arg7[%arg0, %mul3A_38, %dma_wait3A] : memref<2x10240x128xf32, #tpu.memory_space<hbm>> -> memref<1x640x128xf32, #tpu.memory_space<hbm>>
      %dma_wait3A_44 = tpu.memref_squeeze %dma_wait3A_43 : memref<1x640x128xf32, #tpu.memory_space<hbm>> -> memref<640x128xf32, #tpu.memory_space<hbm>>
      %dma_wait3A_45 = arith.constant 0 : i32
      %dma_wait3A_46 = tpu.memref_slice %arg12[%mul3A_36, %dma_wait3A_45] : memref<10240x128xf32, #tpu.memory_space<vmem_shared>> -> memref<640x128xf32, #tpu.memory_space<vmem_shared>>
      tpu.wait_dma2 semaphore(%run_scoped3A : memref<!tpu.dma_semaphore, #tpu.memory_space<semaphore_mem>>) src(%dma_wait3A_46 : memref<640x128xf32, #tpu.memory_space<vmem_shared>>) dst(%dma_wait3A_44 : memref<640x128xf32, #tpu.memory_space<hbm>>)
      tpu.yield
    }) : () -> ()
    return
  }
}

#map = affine_map<(d0, d1) -> (0, 0)>
#map1 = affine_map<(d0, d1) -> (0)>
#map2 = affine_map<(d0, d1) -> (0, 0, 0)>
module attributes {stable_mosaic.version = 14 : i64} {
  func.func @body(%arg0: i32, %arg1: i32, %arg2: memref<128x128xf32, #tpu.memory_space<hbm>>, %arg3: memref<200704xi32, #tpu.memory_space<hbm>>, %arg4: memref<200704xi32, #tpu.memory_space<hbm>>, %arg5: memref<200704xf32, #tpu.memory_space<hbm>>, %arg6: memref<2x10240x128xf32, #tpu.memory_space<hbm>>, %arg7: memref<128xi32, #tpu.memory_space<vmem>>, %arg8: memref<128xi32, #tpu.memory_space<vmem>>, %arg9: memref<128xf32, #tpu.memory_space<vmem>>, %arg10: memref<128x128xf32, #tpu.memory_space<vmem>>, %arg11: memref<10240x128xf32, #tpu.memory_space<vmem_shared>>, %arg12: memref<!tpu.dma_semaphore, #tpu.memory_space<semaphore_mem>>) attributes {dimension_semantics = [#tpu.dimension_semantics<core_parallel>, #tpu.dimension_semantics<subcore_parallel>], iteration_bounds = array<i64: 2, 16>, scalar_prefetch = 0 : i64, scratch_operands = 6 : i64, tpu.core_type = #tpu.core_type<sc_vector_subcore>, window_params = [{transform_indices = #map}, {transform_indices = #map1}, {transform_indices = #map1}, {transform_indices = #map1}, {transform_indices = #map2}]} {
    %mul3A = arith.constant 2 : i32
    %mul3A_0 = arith.muli %arg1, %mul3A : i32
    %add3A = arith.addi %mul3A_0, %arg0 : i32
    %scan3A = arith.constant 0 : i32
    %scan3A_1 = arith.constant 0 : i32
    %scan3A_2 = arith.constant 128 : i32
    %scan3A_3 = arith.addi %scan3A_1, %scan3A_2 : i32
    %scan3A_4 = arith.constant 1 : i32
    %scan3A_5 = scf.for %scan3A_39 = %scan3A_1 to %scan3A_3 step %scan3A_4 iter_args(%scan3A_40 = %scan3A) -> (i32)  : i32 {
      %broadcast_in_dim3A = arith.constant 0.000000e+00 : f32
      %broadcast_in_dim3A_41 = vector.broadcast %broadcast_in_dim3A : f32 to vector<16xf32>
      %swap3A = arith.index_cast %scan3A_39 : i32 to index
      %swap3A_42 = arith.constant 0 : index
      %swap3A_43 = tpu.vector_load %arg10[%swap3A, %swap3A_42] {strides = array<i32>} : memref<128x128xf32, #tpu.memory_space<vmem>>, vector<16xf32>,
      tpu.vector_store %arg10[%swap3A, %swap3A_42], %broadcast_in_dim3A_41 {strides = array<i32>} : memref<128x128xf32, #tpu.memory_space<vmem>>, vector<16xf32>,
      %broadcast_in_dim3A_44 = arith.constant 0.000000e+00 : f32
      %broadcast_in_dim3A_45 = vector.broadcast %broadcast_in_dim3A_44 : f32 to vector<16xf32>
      %swap3A_46 = arith.index_cast %scan3A_39 : i32 to index
      %swap3A_47 = arith.constant 16 : index
      %swap3A_48 = tpu.vector_load %arg10[%swap3A_46, %swap3A_47] {strides = array<i32>} : memref<128x128xf32, #tpu.memory_space<vmem>>, vector<16xf32>,
      tpu.vector_store %arg10[%swap3A_46, %swap3A_47], %broadcast_in_dim3A_45 {strides = array<i32>} : memref<128x128xf32, #tpu.memory_space<vmem>>, vector<16xf32>,
      %broadcast_in_dim3A_49 = arith.constant 0.000000e+00 : f32
      %broadcast_in_dim3A_50 = vector.broadcast %broadcast_in_dim3A_49 : f32 to vector<16xf32>
      %swap3A_51 = arith.index_cast %scan3A_39 : i32 to index
      %swap3A_52 = arith.constant 32 : index
      %swap3A_53 = tpu.vector_load %arg10[%swap3A_51, %swap3A_52] {strides = array<i32>} : memref<128x128xf32, #tpu.memory_space<vmem>>, vector<16xf32>,
      tpu.vector_store %arg10[%swap3A_51, %swap3A_52], %broadcast_in_dim3A_50 {strides = array<i32>} : memref<128x128xf32, #tpu.memory_space<vmem>>, vector<16xf32>,
      %broadcast_in_dim3A_54 = arith.constant 0.000000e+00 : f32
      %broadcast_in_dim3A_55 = vector.broadcast %broadcast_in_dim3A_54 : f32 to vector<16xf32>
      %swap3A_56 = arith.index_cast %scan3A_39 : i32 to index
      %swap3A_57 = arith.constant 48 : index
      %swap3A_58 = tpu.vector_load %arg10[%swap3A_56, %swap3A_57] {strides = array<i32>} : memref<128x128xf32, #tpu.memory_space<vmem>>, vector<16xf32>,
      tpu.vector_store %arg10[%swap3A_56, %swap3A_57], %broadcast_in_dim3A_55 {strides = array<i32>} : memref<128x128xf32, #tpu.memory_space<vmem>>, vector<16xf32>,
      %broadcast_in_dim3A_59 = arith.constant 0.000000e+00 : f32
      %broadcast_in_dim3A_60 = vector.broadcast %broadcast_in_dim3A_59 : f32 to vector<16xf32>
      %swap3A_61 = arith.index_cast %scan3A_39 : i32 to index
      %swap3A_62 = arith.constant 64 : index
      %swap3A_63 = tpu.vector_load %arg10[%swap3A_61, %swap3A_62] {strides = array<i32>} : memref<128x128xf32, #tpu.memory_space<vmem>>, vector<16xf32>,
      tpu.vector_store %arg10[%swap3A_61, %swap3A_62], %broadcast_in_dim3A_60 {strides = array<i32>} : memref<128x128xf32, #tpu.memory_space<vmem>>, vector<16xf32>,
      %broadcast_in_dim3A_64 = arith.constant 0.000000e+00 : f32
      %broadcast_in_dim3A_65 = vector.broadcast %broadcast_in_dim3A_64 : f32 to vector<16xf32>
      %swap3A_66 = arith.index_cast %scan3A_39 : i32 to index
      %swap3A_67 = arith.constant 80 : index
      %swap3A_68 = tpu.vector_load %arg10[%swap3A_66, %swap3A_67] {strides = array<i32>} : memref<128x128xf32, #tpu.memory_space<vmem>>, vector<16xf32>,
      tpu.vector_store %arg10[%swap3A_66, %swap3A_67], %broadcast_in_dim3A_65 {strides = array<i32>} : memref<128x128xf32, #tpu.memory_space<vmem>>, vector<16xf32>,
      %broadcast_in_dim3A_69 = arith.constant 0.000000e+00 : f32
      %broadcast_in_dim3A_70 = vector.broadcast %broadcast_in_dim3A_69 : f32 to vector<16xf32>
      %swap3A_71 = arith.index_cast %scan3A_39 : i32 to index
      %swap3A_72 = arith.constant 96 : index
      %swap3A_73 = tpu.vector_load %arg10[%swap3A_71, %swap3A_72] {strides = array<i32>} : memref<128x128xf32, #tpu.memory_space<vmem>>, vector<16xf32>,
      tpu.vector_store %arg10[%swap3A_71, %swap3A_72], %broadcast_in_dim3A_70 {strides = array<i32>} : memref<128x128xf32, #tpu.memory_space<vmem>>, vector<16xf32>,
      %broadcast_in_dim3A_74 = arith.constant 0.000000e+00 : f32
      %broadcast_in_dim3A_75 = vector.broadcast %broadcast_in_dim3A_74 : f32 to vector<16xf32>
      %swap3A_76 = arith.index_cast %scan3A_39 : i32 to index
      %swap3A_77 = arith.constant 112 : index
      %swap3A_78 = tpu.vector_load %arg10[%swap3A_76, %swap3A_77] {strides = array<i32>} : memref<128x128xf32, #tpu.memory_space<vmem>>, vector<16xf32>,
      tpu.vector_store %arg10[%swap3A_76, %swap3A_77], %broadcast_in_dim3A_75 {strides = array<i32>} : memref<128x128xf32, #tpu.memory_space<vmem>>, vector<16xf32>,
      %scan3A_79 = arith.constant 0 : i32
      scf.yield %scan3A_79 : i32
    }
    %scan3A_6 = arith.constant 128 : i32
    %mul3A_7 = arith.constant 640 : i32
    %mul3A_8 = arith.muli %arg1, %mul3A_7 : i32
    %add3A_9 = arith.constant 0 : i32
    %add3A_10 = arith.addi %mul3A_8, %add3A_9 : i32
    "tpu.region"() ({
      %run_scoped3A = tpu.sem_alloc : memref<!tpu.dma_semaphore, #tpu.memory_space<semaphore_mem>>
      %dma_start3A = arith.constant 0 : i32
      %dma_start3A_39 = tpu.memref_slice %arg11[%add3A_10, %dma_start3A] : memref<10240x128xf32, #tpu.memory_space<vmem_shared>> -> memref<128x128xf32, #tpu.memory_space<vmem_shared>>
      %dma_start3A_40 = arith.constant 0 : i32
      %dma_start3A_41 = tpu.memref_slice %arg11[%add3A_10, %dma_start3A_40] : memref<10240x128xf32, #tpu.memory_space<vmem_shared>> -> memref<128x128xf32, #tpu.memory_space<vmem_shared>>
      tpu.enqueue_dma source(%arg10 : memref<128x128xf32, #tpu.memory_space<vmem>>) target(%dma_start3A_41 : memref<128x128xf32, #tpu.memory_space<vmem_shared>>) target_semaphore(%run_scoped3A : memref<!tpu.dma_semaphore, #tpu.memory_space<semaphore_mem>>)
      %dma_wait3A = arith.constant 0 : i32
      %dma_wait3A_42 = tpu.memref_slice %arg11[%add3A_10, %dma_wait3A] : memref<10240x128xf32, #tpu.memory_space<vmem_shared>> -> memref<128x128xf32, #tpu.memory_space<vmem_shared>>
      %dma_wait3A_43 = arith.constant 0 : i32
      %dma_wait3A_44 = tpu.memref_slice %arg11[%add3A_10, %dma_wait3A_43] : memref<10240x128xf32, #tpu.memory_space<vmem_shared>> -> memref<128x128xf32, #tpu.memory_space<vmem_shared>>
      tpu.wait_dma2 semaphore(%run_scoped3A : memref<!tpu.dma_semaphore, #tpu.memory_space<semaphore_mem>>) src(%arg10 : memref<128x128xf32, #tpu.memory_space<vmem>>) dst(%dma_wait3A_44 : memref<128x128xf32, #tpu.memory_space<vmem_shared>>)
      tpu.yield
    }) : () -> ()
    %mul3A_11 = arith.constant 640 : i32
    %mul3A_12 = arith.muli %arg1, %mul3A_11 : i32
    %add3A_13 = arith.constant 128 : i32
    %add3A_14 = arith.addi %mul3A_12, %add3A_13 : i32
    "tpu.region"() ({
      %run_scoped3A = tpu.sem_alloc : memref<!tpu.dma_semaphore, #tpu.memory_space<semaphore_mem>>
      %dma_start3A = arith.constant 0 : i32
      %dma_start3A_39 = tpu.memref_slice %arg11[%add3A_14, %dma_start3A] : memref<10240x128xf32, #tpu.memory_space<vmem_shared>> -> memref<128x128xf32, #tpu.memory_space<vmem_shared>>
      %dma_start3A_40 = arith.constant 0 : i32
      %dma_start3A_41 = tpu.memref_slice %arg11[%add3A_14, %dma_start3A_40] : memref<10240x128xf32, #tpu.memory_space<vmem_shared>> -> memref<128x128xf32, #tpu.memory_space<vmem_shared>>
      tpu.enqueue_dma source(%arg10 : memref<128x128xf32, #tpu.memory_space<vmem>>) target(%dma_start3A_41 : memref<128x128xf32, #tpu.memory_space<vmem_shared>>) target_semaphore(%run_scoped3A : memref<!tpu.dma_semaphore, #tpu.memory_space<semaphore_mem>>)
      %dma_wait3A = arith.constant 0 : i32
      %dma_wait3A_42 = tpu.memref_slice %arg11[%add3A_14, %dma_wait3A] : memref<10240x128xf32, #tpu.memory_space<vmem_shared>> -> memref<128x128xf32, #tpu.memory_space<vmem_shared>>
      %dma_wait3A_43 = arith.constant 0 : i32
      %dma_wait3A_44 = tpu.memref_slice %arg11[%add3A_14, %dma_wait3A_43] : memref<10240x128xf32, #tpu.memory_space<vmem_shared>> -> memref<128x128xf32, #tpu.memory_space<vmem_shared>>
      tpu.wait_dma2 semaphore(%run_scoped3A : memref<!tpu.dma_semaphore, #tpu.memory_space<semaphore_mem>>) src(%arg10 : memref<128x128xf32, #tpu.memory_space<vmem>>) dst(%dma_wait3A_44 : memref<128x128xf32, #tpu.memory_space<vmem_shared>>)
      tpu.yield
    }) : () -> ()
    %mul3A_15 = arith.constant 640 : i32
    %mul3A_16 = arith.muli %arg1, %mul3A_15 : i32
    %add3A_17 = arith.constant 256 : i32
    %add3A_18 = arith.addi %mul3A_16, %add3A_17 : i32
    "tpu.region"() ({
      %run_scoped3A = tpu.sem_alloc : memref<!tpu.dma_semaphore, #tpu.memory_space<semaphore_mem>>
      %dma_start3A = arith.constant 0 : i32
      %dma_start3A_39 = tpu.memref_slice %arg11[%add3A_18, %dma_start3A] : memref<10240x128xf32, #tpu.memory_space<vmem_shared>> -> memref<128x128xf32, #tpu.memory_space<vmem_shared>>
      %dma_start3A_40 = arith.constant 0 : i32
      %dma_start3A_41 = tpu.memref_slice %arg11[%add3A_18, %dma_start3A_40] : memref<10240x128xf32, #tpu.memory_space<vmem_shared>> -> memref<128x128xf32, #tpu.memory_space<vmem_shared>>
      tpu.enqueue_dma source(%arg10 : memref<128x128xf32, #tpu.memory_space<vmem>>) target(%dma_start3A_41 : memref<128x128xf32, #tpu.memory_space<vmem_shared>>) target_semaphore(%run_scoped3A : memref<!tpu.dma_semaphore, #tpu.memory_space<semaphore_mem>>)
      %dma_wait3A = arith.constant 0 : i32
      %dma_wait3A_42 = tpu.memref_slice %arg11[%add3A_18, %dma_wait3A] : memref<10240x128xf32, #tpu.memory_space<vmem_shared>> -> memref<128x128xf32, #tpu.memory_space<vmem_shared>>
      %dma_wait3A_43 = arith.constant 0 : i32
      %dma_wait3A_44 = tpu.memref_slice %arg11[%add3A_18, %dma_wait3A_43] : memref<10240x128xf32, #tpu.memory_space<vmem_shared>> -> memref<128x128xf32, #tpu.memory_space<vmem_shared>>
      tpu.wait_dma2 semaphore(%run_scoped3A : memref<!tpu.dma_semaphore, #tpu.memory_space<semaphore_mem>>) src(%arg10 : memref<128x128xf32, #tpu.memory_space<vmem>>) dst(%dma_wait3A_44 : memref<128x128xf32, #tpu.memory_space<vmem_shared>>)
      tpu.yield
    }) : () -> ()
    %mul3A_19 = arith.constant 640 : i32
    %mul3A_20 = arith.muli %arg1, %mul3A_19 : i32
    %add3A_21 = arith.constant 384 : i32
    %add3A_22 = arith.addi %mul3A_20, %add3A_21 : i32
    "tpu.region"() ({
      %run_scoped3A = tpu.sem_alloc : memref<!tpu.dma_semaphore, #tpu.memory_space<semaphore_mem>>
      %dma_start3A = arith.constant 0 : i32
      %dma_start3A_39 = tpu.memref_slice %arg11[%add3A_22, %dma_start3A] : memref<10240x128xf32, #tpu.memory_space<vmem_shared>> -> memref<128x128xf32, #tpu.memory_space<vmem_shared>>
      %dma_start3A_40 = arith.constant 0 : i32
      %dma_start3A_41 = tpu.memref_slice %arg11[%add3A_22, %dma_start3A_40] : memref<10240x128xf32, #tpu.memory_space<vmem_shared>> -> memref<128x128xf32, #tpu.memory_space<vmem_shared>>
      tpu.enqueue_dma source(%arg10 : memref<128x128xf32, #tpu.memory_space<vmem>>) target(%dma_start3A_41 : memref<128x128xf32, #tpu.memory_space<vmem_shared>>) target_semaphore(%run_scoped3A : memref<!tpu.dma_semaphore, #tpu.memory_space<semaphore_mem>>)
      %dma_wait3A = arith.constant 0 : i32
      %dma_wait3A_42 = tpu.memref_slice %arg11[%add3A_22, %dma_wait3A] : memref<10240x128xf32, #tpu.memory_space<vmem_shared>> -> memref<128x128xf32, #tpu.memory_space<vmem_shared>>
      %dma_wait3A_43 = arith.constant 0 : i32
      %dma_wait3A_44 = tpu.memref_slice %arg11[%add3A_22, %dma_wait3A_43] : memref<10240x128xf32, #tpu.memory_space<vmem_shared>> -> memref<128x128xf32, #tpu.memory_space<vmem_shared>>
      tpu.wait_dma2 semaphore(%run_scoped3A : memref<!tpu.dma_semaphore, #tpu.memory_space<semaphore_mem>>) src(%arg10 : memref<128x128xf32, #tpu.memory_space<vmem>>) dst(%dma_wait3A_44 : memref<128x128xf32, #tpu.memory_space<vmem_shared>>)
      tpu.yield
    }) : () -> ()
    %mul3A_23 = arith.constant 640 : i32
    %mul3A_24 = arith.muli %arg1, %mul3A_23 : i32
    %add3A_25 = arith.constant 512 : i32
    %add3A_26 = arith.addi %mul3A_24, %add3A_25 : i32
    "tpu.region"() ({
      %run_scoped3A = tpu.sem_alloc : memref<!tpu.dma_semaphore, #tpu.memory_space<semaphore_mem>>
      %dma_start3A = arith.constant 0 : i32
      %dma_start3A_39 = tpu.memref_slice %arg11[%add3A_26, %dma_start3A] : memref<10240x128xf32, #tpu.memory_space<vmem_shared>> -> memref<128x128xf32, #tpu.memory_space<vmem_shared>>
      %dma_start3A_40 = arith.constant 0 : i32
      %dma_start3A_41 = tpu.memref_slice %arg11[%add3A_26, %dma_start3A_40] : memref<10240x128xf32, #tpu.memory_space<vmem_shared>> -> memref<128x128xf32, #tpu.memory_space<vmem_shared>>
      tpu.enqueue_dma source(%arg10 : memref<128x128xf32, #tpu.memory_space<vmem>>) target(%dma_start3A_41 : memref<128x128xf32, #tpu.memory_space<vmem_shared>>) target_semaphore(%run_scoped3A : memref<!tpu.dma_semaphore, #tpu.memory_space<semaphore_mem>>)
      %dma_wait3A = arith.constant 0 : i32
      %dma_wait3A_42 = tpu.memref_slice %arg11[%add3A_26, %dma_wait3A] : memref<10240x128xf32, #tpu.memory_space<vmem_shared>> -> memref<128x128xf32, #tpu.memory_space<vmem_shared>>
      %dma_wait3A_43 = arith.constant 0 : i32
      %dma_wait3A_44 = tpu.memref_slice %arg11[%add3A_26, %dma_wait3A_43] : memref<10240x128xf32, #tpu.memory_space<vmem_shared>> -> memref<128x128xf32, #tpu.memory_space<vmem_shared>>
      tpu.wait_dma2 semaphore(%run_scoped3A : memref<!tpu.dma_semaphore, #tpu.memory_space<semaphore_mem>>) src(%arg10 : memref<128x128xf32, #tpu.memory_space<vmem>>) dst(%dma_wait3A_44 : memref<128x128xf32, #tpu.memory_space<vmem_shared>>)
      tpu.yield
    }) : () -> ()
    %barrier3A = arith.constant 0 : index
    tpu.barrier barrier_id(%barrier3A)
    %scan3A_27 = arith.constant 0 : i32
    %scan3A_28 = arith.constant 0 : i32
    %scan3A_29 = arith.constant 49 : i32
    %scan3A_30 = arith.addi %scan3A_28, %scan3A_29 : i32
    %scan3A_31 = arith.constant 1 : i32
    %scan3A_32 = scf.for %scan3A_39 = %scan3A_28 to %scan3A_30 step %scan3A_31 iter_args(%scan3A_40 = %scan3A_27) -> (i32)  : i32 {
      %mul3A_41 = arith.constant 6272 : i32
      %mul3A_42 = arith.muli %add3A, %mul3A_41 : i32
      %mul3A_43 = arith.constant 128 : i32
      %mul3A_44 = arith.muli %scan3A_39, %mul3A_43 : i32
      %add3A_45 = arith.addi %mul3A_42, %mul3A_44 : i32
      "tpu.region"() ({
        %run_scoped3A = tpu.sem_alloc : memref<!tpu.dma_semaphore, #tpu.memory_space<semaphore_mem>>
        %dma_start3A_58 = tpu.memref_slice %arg3[%add3A_45] : memref<200704xi32, #tpu.memory_space<hbm>> -> memref<128xi32, #tpu.memory_space<hbm>>
        %dma_start3A_59 = tpu.memref_slice %arg3[%add3A_45] : memref<200704xi32, #tpu.memory_space<hbm>> -> memref<128xi32, #tpu.memory_space<hbm>>
        tpu.enqueue_dma source(%dma_start3A_59 : memref<128xi32, #tpu.memory_space<hbm>>) target(%arg7 : memref<128xi32, #tpu.memory_space<vmem>>) target_semaphore(%run_scoped3A : memref<!tpu.dma_semaphore, #tpu.memory_space<semaphore_mem>>)
        %dma_wait3A_60 = tpu.memref_slice %arg3[%add3A_45] : memref<200704xi32, #tpu.memory_space<hbm>> -> memref<128xi32, #tpu.memory_space<hbm>>
        %dma_wait3A_61 = tpu.memref_slice %arg3[%add3A_45] : memref<200704xi32, #tpu.memory_space<hbm>> -> memref<128xi32, #tpu.memory_space<hbm>>
        tpu.wait_dma2 semaphore(%run_scoped3A : memref<!tpu.dma_semaphore, #tpu.memory_space<semaphore_mem>>) src(%dma_wait3A_61 : memref<128xi32, #tpu.memory_space<hbm>>) dst(%arg7 : memref<128xi32, #tpu.memory_space<vmem>>)
        tpu.yield
      }) : () -> ()
      "tpu.region"() ({
        %run_scoped3A = tpu.sem_alloc : memref<!tpu.dma_semaphore, #tpu.memory_space<semaphore_mem>>
        %dma_start3A_58 = tpu.memref_slice %arg4[%add3A_45] : memref<200704xi32, #tpu.memory_space<hbm>> -> memref<128xi32, #tpu.memory_space<hbm>>
        %dma_start3A_59 = tpu.memref_slice %arg4[%add3A_45] : memref<200704xi32, #tpu.memory_space<hbm>> -> memref<128xi32, #tpu.memory_space<hbm>>
        tpu.enqueue_dma source(%dma_start3A_59 : memref<128xi32, #tpu.memory_space<hbm>>) target(%arg8 : memref<128xi32, #tpu.memory_space<vmem>>) target_semaphore(%run_scoped3A : memref<!tpu.dma_semaphore, #tpu.memory_space<semaphore_mem>>)
        %dma_wait3A_60 = tpu.memref_slice %arg4[%add3A_45] : memref<200704xi32, #tpu.memory_space<hbm>> -> memref<128xi32, #tpu.memory_space<hbm>>
        %dma_wait3A_61 = tpu.memref_slice %arg4[%add3A_45] : memref<200704xi32, #tpu.memory_space<hbm>> -> memref<128xi32, #tpu.memory_space<hbm>>
        tpu.wait_dma2 semaphore(%run_scoped3A : memref<!tpu.dma_semaphore, #tpu.memory_space<semaphore_mem>>) src(%dma_wait3A_61 : memref<128xi32, #tpu.memory_space<hbm>>) dst(%arg8 : memref<128xi32, #tpu.memory_space<vmem>>)
        tpu.yield
      }) : () -> ()
      "tpu.region"() ({
        %run_scoped3A = tpu.sem_alloc : memref<!tpu.dma_semaphore, #tpu.memory_space<semaphore_mem>>
        %dma_start3A_58 = tpu.memref_slice %arg5[%add3A_45] : memref<200704xf32, #tpu.memory_space<hbm>> -> memref<128xf32, #tpu.memory_space<hbm>>
        %dma_start3A_59 = tpu.memref_slice %arg5[%add3A_45] : memref<200704xf32, #tpu.memory_space<hbm>> -> memref<128xf32, #tpu.memory_space<hbm>>
        tpu.enqueue_dma source(%dma_start3A_59 : memref<128xf32, #tpu.memory_space<hbm>>) target(%arg9 : memref<128xf32, #tpu.memory_space<vmem>>) target_semaphore(%run_scoped3A : memref<!tpu.dma_semaphore, #tpu.memory_space<semaphore_mem>>)
        %dma_wait3A_60 = tpu.memref_slice %arg5[%add3A_45] : memref<200704xf32, #tpu.memory_space<hbm>> -> memref<128xf32, #tpu.memory_space<hbm>>
        %dma_wait3A_61 = tpu.memref_slice %arg5[%add3A_45] : memref<200704xf32, #tpu.memory_space<hbm>> -> memref<128xf32, #tpu.memory_space<hbm>>
        tpu.wait_dma2 semaphore(%run_scoped3A : memref<!tpu.dma_semaphore, #tpu.memory_space<semaphore_mem>>) src(%dma_wait3A_61 : memref<128xf32, #tpu.memory_space<hbm>>) dst(%arg9 : memref<128xf32, #tpu.memory_space<vmem>>)
        tpu.yield
      }) : () -> ()
      %dma_start3A = arith.constant 0 : i32
      %dma_start3A_46 = arith.constant 0 : i32
      %dma_start3A_47 = tpu.memref_slice %arg2[%dma_start3A, %dma_start3A_46] : memref<128x128xf32, #tpu.memory_space<hbm>> -> memref<128x128xf32, #tpu.memory_space<hbm>>
      tpu.enqueue_indirect_dma source(%dma_start3A_47 : memref<128x128xf32, #tpu.memory_space<hbm>>) target(%arg10 : memref<128x128xf32, #tpu.memory_space<vmem>>) offsets(%arg7 : memref<128xi32, #tpu.memory_space<vmem>>) semaphore(%arg12 : memref<!tpu.dma_semaphore, #tpu.memory_space<semaphore_mem>>)
      %dma_wait3A = arith.constant 0 : i32
      %dma_wait3A_48 = arith.constant 0 : i32
      %dma_wait3A_49 = tpu.memref_slice %arg2[%dma_wait3A, %dma_wait3A_48] : memref<128x128xf32, #tpu.memory_space<hbm>> -> memref<128x128xf32, #tpu.memory_space<hbm>>
      tpu.wait_indirect_dma semaphore(%arg12 : memref<!tpu.dma_semaphore, #tpu.memory_space<semaphore_mem>>) src(%dma_wait3A_49 : memref<128x128xf32, #tpu.memory_space<hbm>>) dst(%arg10 : memref<128x128xf32, #tpu.memory_space<vmem>>)
      %scan3A_50 = arith.constant 0 : i32
      %scan3A_51 = arith.constant 0 : i32
      %scan3A_52 = arith.constant 128 : i32
      %scan3A_53 = arith.addi %scan3A_51, %scan3A_52 : i32
      %scan3A_54 = arith.constant 1 : i32
      %scan3A_55 = scf.for %scan3A_58 = %scan3A_51 to %scan3A_53 step %scan3A_54 iter_args(%scan3A_59 = %scan3A_50) -> (i32)  : i32 {
        %broadcast_in_dim3A = vector.broadcast %scan3A_58 : i32 to vector<16xi32>
        %gather3A = tpu.vector_load_idx %arg9[%broadcast_in_dim3A] : memref<128xf32, #tpu.memory_space<vmem>>[vector<16xi32>], vector<16xf32>,
        %get3A = arith.index_cast %scan3A_58 : i32 to index
        %get3A_60 = arith.constant 0 : index
        %get3A_61 = tpu.vector_load %arg10[%get3A, %get3A_60] {strides = array<i32>} : memref<128x128xf32, #tpu.memory_space<vmem>>, vector<16xf32>,
        %mul3A_62 = arith.mulf %get3A_61, %gather3A : vector<16xf32>
        %swap3A = arith.index_cast %scan3A_58 : i32 to index
        %swap3A_63 = arith.constant 0 : index
        %swap3A_64 = tpu.vector_load %arg10[%swap3A, %swap3A_63] {strides = array<i32>} : memref<128x128xf32, #tpu.memory_space<vmem>>, vector<16xf32>,
        tpu.vector_store %arg10[%swap3A, %swap3A_63], %mul3A_62 {strides = array<i32>} : memref<128x128xf32, #tpu.memory_space<vmem>>, vector<16xf32>,
        %get3A_65 = arith.index_cast %scan3A_58 : i32 to index
        %get3A_66 = arith.constant 16 : index
        %get3A_67 = tpu.vector_load %arg10[%get3A_65, %get3A_66] {strides = array<i32>} : memref<128x128xf32, #tpu.memory_space<vmem>>, vector<16xf32>,
        %mul3A_68 = arith.mulf %get3A_67, %gather3A : vector<16xf32>
        %swap3A_69 = arith.index_cast %scan3A_58 : i32 to index
        %swap3A_70 = arith.constant 16 : index
        %swap3A_71 = tpu.vector_load %arg10[%swap3A_69, %swap3A_70] {strides = array<i32>} : memref<128x128xf32, #tpu.memory_space<vmem>>, vector<16xf32>,
        tpu.vector_store %arg10[%swap3A_69, %swap3A_70], %mul3A_68 {strides = array<i32>} : memref<128x128xf32, #tpu.memory_space<vmem>>, vector<16xf32>,
        %get3A_72 = arith.index_cast %scan3A_58 : i32 to index
        %get3A_73 = arith.constant 32 : index
        %get3A_74 = tpu.vector_load %arg10[%get3A_72, %get3A_73] {strides = array<i32>} : memref<128x128xf32, #tpu.memory_space<vmem>>, vector<16xf32>,
        %mul3A_75 = arith.mulf %get3A_74, %gather3A : vector<16xf32>
        %swap3A_76 = arith.index_cast %scan3A_58 : i32 to index
        %swap3A_77 = arith.constant 32 : index
        %swap3A_78 = tpu.vector_load %arg10[%swap3A_76, %swap3A_77] {strides = array<i32>} : memref<128x128xf32, #tpu.memory_space<vmem>>, vector<16xf32>,
        tpu.vector_store %arg10[%swap3A_76, %swap3A_77], %mul3A_75 {strides = array<i32>} : memref<128x128xf32, #tpu.memory_space<vmem>>, vector<16xf32>,
        %get3A_79 = arith.index_cast %scan3A_58 : i32 to index
        %get3A_80 = arith.constant 48 : index
        %get3A_81 = tpu.vector_load %arg10[%get3A_79, %get3A_80] {strides = array<i32>} : memref<128x128xf32, #tpu.memory_space<vmem>>, vector<16xf32>,
        %mul3A_82 = arith.mulf %get3A_81, %gather3A : vector<16xf32>
        %swap3A_83 = arith.index_cast %scan3A_58 : i32 to index
        %swap3A_84 = arith.constant 48 : index
        %swap3A_85 = tpu.vector_load %arg10[%swap3A_83, %swap3A_84] {strides = array<i32>} : memref<128x128xf32, #tpu.memory_space<vmem>>, vector<16xf32>,
        tpu.vector_store %arg10[%swap3A_83, %swap3A_84], %mul3A_82 {strides = array<i32>} : memref<128x128xf32, #tpu.memory_space<vmem>>, vector<16xf32>,
        %get3A_86 = arith.index_cast %scan3A_58 : i32 to index
        %get3A_87 = arith.constant 64 : index
        %get3A_88 = tpu.vector_load %arg10[%get3A_86, %get3A_87] {strides = array<i32>} : memref<128x128xf32, #tpu.memory_space<vmem>>, vector<16xf32>,
        %mul3A_89 = arith.mulf %get3A_88, %gather3A : vector<16xf32>
        %swap3A_90 = arith.index_cast %scan3A_58 : i32 to index
        %swap3A_91 = arith.constant 64 : index
        %swap3A_92 = tpu.vector_load %arg10[%swap3A_90, %swap3A_91] {strides = array<i32>} : memref<128x128xf32, #tpu.memory_space<vmem>>, vector<16xf32>,
        tpu.vector_store %arg10[%swap3A_90, %swap3A_91], %mul3A_89 {strides = array<i32>} : memref<128x128xf32, #tpu.memory_space<vmem>>, vector<16xf32>,
        %get3A_93 = arith.index_cast %scan3A_58 : i32 to index
        %get3A_94 = arith.constant 80 : index
        %get3A_95 = tpu.vector_load %arg10[%get3A_93, %get3A_94] {strides = array<i32>} : memref<128x128xf32, #tpu.memory_space<vmem>>, vector<16xf32>,
        %mul3A_96 = arith.mulf %get3A_95, %gather3A : vector<16xf32>
        %swap3A_97 = arith.index_cast %scan3A_58 : i32 to index
        %swap3A_98 = arith.constant 80 : index
        %swap3A_99 = tpu.vector_load %arg10[%swap3A_97, %swap3A_98] {strides = array<i32>} : memref<128x128xf32, #tpu.memory_space<vmem>>, vector<16xf32>,
        tpu.vector_store %arg10[%swap3A_97, %swap3A_98], %mul3A_96 {strides = array<i32>} : memref<128x128xf32, #tpu.memory_space<vmem>>, vector<16xf32>,
        %get3A_100 = arith.index_cast %scan3A_58 : i32 to index
        %get3A_101 = arith.constant 96 : index
        %get3A_102 = tpu.vector_load %arg10[%get3A_100, %get3A_101] {strides = array<i32>} : memref<128x128xf32, #tpu.memory_space<vmem>>, vector<16xf32>,
        %mul3A_103 = arith.mulf %get3A_102, %gather3A : vector<16xf32>
        %swap3A_104 = arith.index_cast %scan3A_58 : i32 to index
        %swap3A_105 = arith.constant 96 : index
        %swap3A_106 = tpu.vector_load %arg10[%swap3A_104, %swap3A_105] {strides = array<i32>} : memref<128x128xf32, #tpu.memory_space<vmem>>, vector<16xf32>,
        tpu.vector_store %arg10[%swap3A_104, %swap3A_105], %mul3A_103 {strides = array<i32>} : memref<128x128xf32, #tpu.memory_space<vmem>>, vector<16xf32>,
        %get3A_107 = arith.index_cast %scan3A_58 : i32 to index
        %get3A_108 = arith.constant 112 : index
        %get3A_109 = tpu.vector_load %arg10[%get3A_107, %get3A_108] {strides = array<i32>} : memref<128x128xf32, #tpu.memory_space<vmem>>, vector<16xf32>,
        %mul3A_110 = arith.mulf %get3A_109, %gather3A : vector<16xf32>
        %swap3A_111 = arith.index_cast %scan3A_58 : i32 to index
        %swap3A_112 = arith.constant 112 : index
        %swap3A_113 = tpu.vector_load %arg10[%swap3A_111, %swap3A_112] {strides = array<i32>} : memref<128x128xf32, #tpu.memory_space<vmem>>, vector<16xf32>,
        tpu.vector_store %arg10[%swap3A_111, %swap3A_112], %mul3A_110 {strides = array<i32>} : memref<128x128xf32, #tpu.memory_space<vmem>>, vector<16xf32>,
        %scan3A_114 = arith.constant 0 : i32
        scf.yield %scan3A_114 : i32
      }
      %scan3A_56 = arith.constant 128 : i32
      "tpu.region"() ({
        %run_scoped3A = tpu.sem_alloc : memref<!tpu.dma_semaphore, #tpu.memory_space<semaphore_mem>>
        %dma_start3A_58 = arith.constant 0 : i32
        %dma_start3A_59 = arith.constant 0 : i32
        %dma_start3A_60 = tpu.memref_slice %arg11[%dma_start3A_58, %dma_start3A_59] : memref<10240x128xf32, #tpu.memory_space<vmem_shared>> -> memref<10240x128xf32, #tpu.memory_space<vmem_shared>>
        tpu.enqueue_indirect_dma source(%arg10 : memref<128x128xf32, #tpu.memory_space<vmem>>) target(%dma_start3A_60 : memref<10240x128xf32, #tpu.memory_space<vmem_shared>>) offsets(%arg8 : memref<128xi32, #tpu.memory_space<vmem>>) semaphore(%run_scoped3A : memref<!tpu.dma_semaphore, #tpu.memory_space<semaphore_mem>>) {add = true}
        %dma_wait3A_61 = arith.constant 0 : i32
        %dma_wait3A_62 = arith.constant 0 : i32
        %dma_wait3A_63 = tpu.memref_slice %arg11[%dma_wait3A_61, %dma_wait3A_62] : memref<10240x128xf32, #tpu.memory_space<vmem_shared>> -> memref<10240x128xf32, #tpu.memory_space<vmem_shared>>
        tpu.wait_indirect_dma semaphore(%run_scoped3A : memref<!tpu.dma_semaphore, #tpu.memory_space<semaphore_mem>>) src(%arg10 : memref<128x128xf32, #tpu.memory_space<vmem>>) dst(%dma_wait3A_63 : memref<10240x128xf32, #tpu.memory_space<vmem_shared>>)
        tpu.yield
      }) : () -> ()
      %scan3A_57 = arith.constant 0 : i32
      scf.yield %scan3A_57 : i32
    }
    %scan3A_33 = arith.constant 49 : i32
    %barrier3A_34 = arith.constant 0 : index
    tpu.barrier barrier_id(%barrier3A_34)
    %mul3A_35 = arith.constant 640 : i32
    %mul3A_36 = arith.muli %arg1, %mul3A_35 : i32
    %mul3A_37 = arith.constant 640 : i32
    %mul3A_38 = arith.muli %arg1, %mul3A_37 : i32
    "tpu.region"() ({
      %run_scoped3A = tpu.sem_alloc : memref<!tpu.dma_semaphore, #tpu.memory_space<semaphore_mem>>
      %dma_start3A = arith.constant 0 : i32
      %dma_start3A_39 = tpu.memref_slice %arg6[%arg0, %mul3A_38, %dma_start3A] : memref<2x10240x128xf32, #tpu.memory_space<hbm>> -> memref<1x640x128xf32, #tpu.memory_space<hbm>>
      %dma_start3A_40 = tpu.memref_squeeze %dma_start3A_39 : memref<1x640x128xf32, #tpu.memory_space<hbm>> -> memref<640x128xf32, #tpu.memory_space<hbm>>
      %dma_start3A_41 = arith.constant 0 : i32
      %dma_start3A_42 = tpu.memref_slice %arg11[%mul3A_36, %dma_start3A_41] : memref<10240x128xf32, #tpu.memory_space<vmem_shared>> -> memref<640x128xf32, #tpu.memory_space<vmem_shared>>
      tpu.enqueue_dma source(%dma_start3A_42 : memref<640x128xf32, #tpu.memory_space<vmem_shared>>) target(%dma_start3A_40 : memref<640x128xf32, #tpu.memory_space<hbm>>) target_semaphore(%run_scoped3A : memref<!tpu.dma_semaphore, #tpu.memory_space<semaphore_mem>>)
      %dma_wait3A = arith.constant 0 : i32
      %dma_wait3A_43 = tpu.memref_slice %arg6[%arg0, %mul3A_38, %dma_wait3A] : memref<2x10240x128xf32, #tpu.memory_space<hbm>> -> memref<1x640x128xf32, #tpu.memory_space<hbm>>
      %dma_wait3A_44 = tpu.memref_squeeze %dma_wait3A_43 : memref<1x640x128xf32, #tpu.memory_space<hbm>> -> memref<640x128xf32, #tpu.memory_space<hbm>>
      %dma_wait3A_45 = arith.constant 0 : i32
      %dma_wait3A_46 = tpu.memref_slice %arg11[%mul3A_36, %dma_wait3A_45] : memref<10240x128xf32, #tpu.memory_space<vmem_shared>> -> memref<640x128xf32, #tpu.memory_space<vmem_shared>>
      tpu.wait_dma2 semaphore(%run_scoped3A : memref<!tpu.dma_semaphore, #tpu.memory_space<semaphore_mem>>) src(%dma_wait3A_46 : memref<640x128xf32, #tpu.memory_space<vmem_shared>>) dst(%dma_wait3A_44 : memref<640x128xf32, #tpu.memory_space<hbm>>)
      tpu.yield
    }) : () -> ()
    return
  }
}

#map = affine_map<(d0, d1) -> (0, 0)>
#map1 = affine_map<(d0, d1) -> (0)>
#map2 = affine_map<(d0, d1) -> (0, 0, 0)>
module attributes {stable_mosaic.version = 14 : i64} {
  func.func @body(%arg0: i32, %arg1: i32, %arg2: memref<10240x128xf32, #tpu.memory_space<hbm>>, %arg3: memref<323584xi32, #tpu.memory_space<hbm>>, %arg4: memref<323584xi32, #tpu.memory_space<hbm>>, %arg5: memref<323584xf32, #tpu.memory_space<hbm>>, %arg6: memref<2x10240x128xf32, #tpu.memory_space<hbm>>, %arg7: memref<128xi32, #tpu.memory_space<vmem>>, %arg8: memref<128xi32, #tpu.memory_space<vmem>>, %arg9: memref<128xf32, #tpu.memory_space<vmem>>, %arg10: memref<128x128xf32, #tpu.memory_space<vmem>>, %arg11: memref<10240x128xf32, #tpu.memory_space<vmem_shared>>, %arg12: memref<!tpu.dma_semaphore, #tpu.memory_space<semaphore_mem>>) attributes {dimension_semantics = [#tpu.dimension_semantics<core_parallel>, #tpu.dimension_semantics<subcore_parallel>], iteration_bounds = array<i64: 2, 16>, scalar_prefetch = 0 : i64, scratch_operands = 6 : i64, tpu.core_type = #tpu.core_type<sc_vector_subcore>, window_params = [{transform_indices = #map}, {transform_indices = #map1}, {transform_indices = #map1}, {transform_indices = #map1}, {transform_indices = #map2}]} {
    %mul3A = arith.constant 2 : i32
    %mul3A_0 = arith.muli %arg1, %mul3A : i32
    %add3A = arith.addi %mul3A_0, %arg0 : i32
    %scan3A = arith.constant 0 : i32
    %scan3A_1 = arith.constant 0 : i32
    %scan3A_2 = arith.constant 128 : i32
    %scan3A_3 = arith.addi %scan3A_1, %scan3A_2 : i32
    %scan3A_4 = arith.constant 1 : i32
    %scan3A_5 = scf.for %scan3A_39 = %scan3A_1 to %scan3A_3 step %scan3A_4 iter_args(%scan3A_40 = %scan3A) -> (i32)  : i32 {
      %broadcast_in_dim3A = arith.constant 0.000000e+00 : f32
      %broadcast_in_dim3A_41 = vector.broadcast %broadcast_in_dim3A : f32 to vector<16xf32>
      %swap3A = arith.index_cast %scan3A_39 : i32 to index
      %swap3A_42 = arith.constant 0 : index
      %swap3A_43 = tpu.vector_load %arg10[%swap3A, %swap3A_42] {strides = array<i32>} : memref<128x128xf32, #tpu.memory_space<vmem>>, vector<16xf32>,
      tpu.vector_store %arg10[%swap3A, %swap3A_42], %broadcast_in_dim3A_41 {strides = array<i32>} : memref<128x128xf32, #tpu.memory_space<vmem>>, vector<16xf32>,
      %broadcast_in_dim3A_44 = arith.constant 0.000000e+00 : f32
      %broadcast_in_dim3A_45 = vector.broadcast %broadcast_in_dim3A_44 : f32 to vector<16xf32>
      %swap3A_46 = arith.index_cast %scan3A_39 : i32 to index
      %swap3A_47 = arith.constant 16 : index
      %swap3A_48 = tpu.vector_load %arg10[%swap3A_46, %swap3A_47] {strides = array<i32>} : memref<128x128xf32, #tpu.memory_space<vmem>>, vector<16xf32>,
      tpu.vector_store %arg10[%swap3A_46, %swap3A_47], %broadcast_in_dim3A_45 {strides = array<i32>} : memref<128x128xf32, #tpu.memory_space<vmem>>, vector<16xf32>,
      %broadcast_in_dim3A_49 = arith.constant 0.000000e+00 : f32
      %broadcast_in_dim3A_50 = vector.broadcast %broadcast_in_dim3A_49 : f32 to vector<16xf32>
      %swap3A_51 = arith.index_cast %scan3A_39 : i32 to index
      %swap3A_52 = arith.constant 32 : index
      %swap3A_53 = tpu.vector_load %arg10[%swap3A_51, %swap3A_52] {strides = array<i32>} : memref<128x128xf32, #tpu.memory_space<vmem>>, vector<16xf32>,
      tpu.vector_store %arg10[%swap3A_51, %swap3A_52], %broadcast_in_dim3A_50 {strides = array<i32>} : memref<128x128xf32, #tpu.memory_space<vmem>>, vector<16xf32>,
      %broadcast_in_dim3A_54 = arith.constant 0.000000e+00 : f32
      %broadcast_in_dim3A_55 = vector.broadcast %broadcast_in_dim3A_54 : f32 to vector<16xf32>
      %swap3A_56 = arith.index_cast %scan3A_39 : i32 to index
      %swap3A_57 = arith.constant 48 : index
      %swap3A_58 = tpu.vector_load %arg10[%swap3A_56, %swap3A_57] {strides = array<i32>} : memref<128x128xf32, #tpu.memory_space<vmem>>, vector<16xf32>,
      tpu.vector_store %arg10[%swap3A_56, %swap3A_57], %broadcast_in_dim3A_55 {strides = array<i32>} : memref<128x128xf32, #tpu.memory_space<vmem>>, vector<16xf32>,
      %broadcast_in_dim3A_59 = arith.constant 0.000000e+00 : f32
      %broadcast_in_dim3A_60 = vector.broadcast %broadcast_in_dim3A_59 : f32 to vector<16xf32>
      %swap3A_61 = arith.index_cast %scan3A_39 : i32 to index
      %swap3A_62 = arith.constant 64 : index
      %swap3A_63 = tpu.vector_load %arg10[%swap3A_61, %swap3A_62] {strides = array<i32>} : memref<128x128xf32, #tpu.memory_space<vmem>>, vector<16xf32>,
      tpu.vector_store %arg10[%swap3A_61, %swap3A_62], %broadcast_in_dim3A_60 {strides = array<i32>} : memref<128x128xf32, #tpu.memory_space<vmem>>, vector<16xf32>,
      %broadcast_in_dim3A_64 = arith.constant 0.000000e+00 : f32
      %broadcast_in_dim3A_65 = vector.broadcast %broadcast_in_dim3A_64 : f32 to vector<16xf32>
      %swap3A_66 = arith.index_cast %scan3A_39 : i32 to index
      %swap3A_67 = arith.constant 80 : index
      %swap3A_68 = tpu.vector_load %arg10[%swap3A_66, %swap3A_67] {strides = array<i32>} : memref<128x128xf32, #tpu.memory_space<vmem>>, vector<16xf32>,
      tpu.vector_store %arg10[%swap3A_66, %swap3A_67], %broadcast_in_dim3A_65 {strides = array<i32>} : memref<128x128xf32, #tpu.memory_space<vmem>>, vector<16xf32>,
      %broadcast_in_dim3A_69 = arith.constant 0.000000e+00 : f32
      %broadcast_in_dim3A_70 = vector.broadcast %broadcast_in_dim3A_69 : f32 to vector<16xf32>
      %swap3A_71 = arith.index_cast %scan3A_39 : i32 to index
      %swap3A_72 = arith.constant 96 : index
      %swap3A_73 = tpu.vector_load %arg10[%swap3A_71, %swap3A_72] {strides = array<i32>} : memref<128x128xf32, #tpu.memory_space<vmem>>, vector<16xf32>,
      tpu.vector_store %arg10[%swap3A_71, %swap3A_72], %broadcast_in_dim3A_70 {strides = array<i32>} : memref<128x128xf32, #tpu.memory_space<vmem>>, vector<16xf32>,
      %broadcast_in_dim3A_74 = arith.constant 0.000000e+00 : f32
      %broadcast_in_dim3A_75 = vector.broadcast %broadcast_in_dim3A_74 : f32 to vector<16xf32>
      %swap3A_76 = arith.index_cast %scan3A_39 : i32 to index
      %swap3A_77 = arith.constant 112 : index
      %swap3A_78 = tpu.vector_load %arg10[%swap3A_76, %swap3A_77] {strides = array<i32>} : memref<128x128xf32, #tpu.memory_space<vmem>>, vector<16xf32>,
      tpu.vector_store %arg10[%swap3A_76, %swap3A_77], %broadcast_in_dim3A_75 {strides = array<i32>} : memref<128x128xf32, #tpu.memory_space<vmem>>, vector<16xf32>,
      %scan3A_79 = arith.constant 0 : i32
      scf.yield %scan3A_79 : i32
    }
    %scan3A_6 = arith.constant 128 : i32
    %mul3A_7 = arith.constant 640 : i32
    %mul3A_8 = arith.muli %arg1, %mul3A_7 : i32
    %add3A_9 = arith.constant 0 : i32
    %add3A_10 = arith.addi %mul3A_8, %add3A_9 : i32
    "tpu.region"() ({
      %run_scoped3A = tpu.sem_alloc : memref<!tpu.dma_semaphore, #tpu.memory_space<semaphore_mem>>
      %dma_start3A = arith.constant 0 : i32
      %dma_start3A_39 = tpu.memref_slice %arg11[%add3A_10, %dma_start3A] : memref<10240x128xf32, #tpu.memory_space<vmem_shared>> -> memref<128x128xf32, #tpu.memory_space<vmem_shared>>
      %dma_start3A_40 = arith.constant 0 : i32
      %dma_start3A_41 = tpu.memref_slice %arg11[%add3A_10, %dma_start3A_40] : memref<10240x128xf32, #tpu.memory_space<vmem_shared>> -> memref<128x128xf32, #tpu.memory_space<vmem_shared>>
      tpu.enqueue_dma source(%arg10 : memref<128x128xf32, #tpu.memory_space<vmem>>) target(%dma_start3A_41 : memref<128x128xf32, #tpu.memory_space<vmem_shared>>) target_semaphore(%run_scoped3A : memref<!tpu.dma_semaphore, #tpu.memory_space<semaphore_mem>>)
      %dma_wait3A = arith.constant 0 : i32
      %dma_wait3A_42 = tpu.memref_slice %arg11[%add3A_10, %dma_wait3A] : memref<10240x128xf32, #tpu.memory_space<vmem_shared>> -> memref<128x128xf32, #tpu.memory_space<vmem_shared>>
      %dma_wait3A_43 = arith.constant 0 : i32
      %dma_wait3A_44 = tpu.memref_slice %arg11[%add3A_10, %dma_wait3A_43] : memref<10240x128xf32, #tpu.memory_space<vmem_shared>> -> memref<128x128xf32, #tpu.memory_space<vmem_shared>>
      tpu.wait_dma2 semaphore(%run_scoped3A : memref<!tpu.dma_semaphore, #tpu.memory_space<semaphore_mem>>) src(%arg10 : memref<128x128xf32, #tpu.memory_space<vmem>>) dst(%dma_wait3A_44 : memref<128x128xf32, #tpu.memory_space<vmem_shared>>)
      tpu.yield
    }) : () -> ()
    %mul3A_11 = arith.constant 640 : i32
    %mul3A_12 = arith.muli %arg1, %mul3A_11 : i32
    %add3A_13 = arith.constant 128 : i32
    %add3A_14 = arith.addi %mul3A_12, %add3A_13 : i32
    "tpu.region"() ({
      %run_scoped3A = tpu.sem_alloc : memref<!tpu.dma_semaphore, #tpu.memory_space<semaphore_mem>>
      %dma_start3A = arith.constant 0 : i32
      %dma_start3A_39 = tpu.memref_slice %arg11[%add3A_14, %dma_start3A] : memref<10240x128xf32, #tpu.memory_space<vmem_shared>> -> memref<128x128xf32, #tpu.memory_space<vmem_shared>>
      %dma_start3A_40 = arith.constant 0 : i32
      %dma_start3A_41 = tpu.memref_slice %arg11[%add3A_14, %dma_start3A_40] : memref<10240x128xf32, #tpu.memory_space<vmem_shared>> -> memref<128x128xf32, #tpu.memory_space<vmem_shared>>
      tpu.enqueue_dma source(%arg10 : memref<128x128xf32, #tpu.memory_space<vmem>>) target(%dma_start3A_41 : memref<128x128xf32, #tpu.memory_space<vmem_shared>>) target_semaphore(%run_scoped3A : memref<!tpu.dma_semaphore, #tpu.memory_space<semaphore_mem>>)
      %dma_wait3A = arith.constant 0 : i32
      %dma_wait3A_42 = tpu.memref_slice %arg11[%add3A_14, %dma_wait3A] : memref<10240x128xf32, #tpu.memory_space<vmem_shared>> -> memref<128x128xf32, #tpu.memory_space<vmem_shared>>
      %dma_wait3A_43 = arith.constant 0 : i32
      %dma_wait3A_44 = tpu.memref_slice %arg11[%add3A_14, %dma_wait3A_43] : memref<10240x128xf32, #tpu.memory_space<vmem_shared>> -> memref<128x128xf32, #tpu.memory_space<vmem_shared>>
      tpu.wait_dma2 semaphore(%run_scoped3A : memref<!tpu.dma_semaphore, #tpu.memory_space<semaphore_mem>>) src(%arg10 : memref<128x128xf32, #tpu.memory_space<vmem>>) dst(%dma_wait3A_44 : memref<128x128xf32, #tpu.memory_space<vmem_shared>>)
      tpu.yield
    }) : () -> ()
    %mul3A_15 = arith.constant 640 : i32
    %mul3A_16 = arith.muli %arg1, %mul3A_15 : i32
    %add3A_17 = arith.constant 256 : i32
    %add3A_18 = arith.addi %mul3A_16, %add3A_17 : i32
    "tpu.region"() ({
      %run_scoped3A = tpu.sem_alloc : memref<!tpu.dma_semaphore, #tpu.memory_space<semaphore_mem>>
      %dma_start3A = arith.constant 0 : i32
      %dma_start3A_39 = tpu.memref_slice %arg11[%add3A_18, %dma_start3A] : memref<10240x128xf32, #tpu.memory_space<vmem_shared>> -> memref<128x128xf32, #tpu.memory_space<vmem_shared>>
      %dma_start3A_40 = arith.constant 0 : i32
      %dma_start3A_41 = tpu.memref_slice %arg11[%add3A_18, %dma_start3A_40] : memref<10240x128xf32, #tpu.memory_space<vmem_shared>> -> memref<128x128xf32, #tpu.memory_space<vmem_shared>>
      tpu.enqueue_dma source(%arg10 : memref<128x128xf32, #tpu.memory_space<vmem>>) target(%dma_start3A_41 : memref<128x128xf32, #tpu.memory_space<vmem_shared>>) target_semaphore(%run_scoped3A : memref<!tpu.dma_semaphore, #tpu.memory_space<semaphore_mem>>)
      %dma_wait3A = arith.constant 0 : i32
      %dma_wait3A_42 = tpu.memref_slice %arg11[%add3A_18, %dma_wait3A] : memref<10240x128xf32, #tpu.memory_space<vmem_shared>> -> memref<128x128xf32, #tpu.memory_space<vmem_shared>>
      %dma_wait3A_43 = arith.constant 0 : i32
      %dma_wait3A_44 = tpu.memref_slice %arg11[%add3A_18, %dma_wait3A_43] : memref<10240x128xf32, #tpu.memory_space<vmem_shared>> -> memref<128x128xf32, #tpu.memory_space<vmem_shared>>
      tpu.wait_dma2 semaphore(%run_scoped3A : memref<!tpu.dma_semaphore, #tpu.memory_space<semaphore_mem>>) src(%arg10 : memref<128x128xf32, #tpu.memory_space<vmem>>) dst(%dma_wait3A_44 : memref<128x128xf32, #tpu.memory_space<vmem_shared>>)
      tpu.yield
    }) : () -> ()
    %mul3A_19 = arith.constant 640 : i32
    %mul3A_20 = arith.muli %arg1, %mul3A_19 : i32
    %add3A_21 = arith.constant 384 : i32
    %add3A_22 = arith.addi %mul3A_20, %add3A_21 : i32
    "tpu.region"() ({
      %run_scoped3A = tpu.sem_alloc : memref<!tpu.dma_semaphore, #tpu.memory_space<semaphore_mem>>
      %dma_start3A = arith.constant 0 : i32
      %dma_start3A_39 = tpu.memref_slice %arg11[%add3A_22, %dma_start3A] : memref<10240x128xf32, #tpu.memory_space<vmem_shared>> -> memref<128x128xf32, #tpu.memory_space<vmem_shared>>
      %dma_start3A_40 = arith.constant 0 : i32
      %dma_start3A_41 = tpu.memref_slice %arg11[%add3A_22, %dma_start3A_40] : memref<10240x128xf32, #tpu.memory_space<vmem_shared>> -> memref<128x128xf32, #tpu.memory_space<vmem_shared>>
      tpu.enqueue_dma source(%arg10 : memref<128x128xf32, #tpu.memory_space<vmem>>) target(%dma_start3A_41 : memref<128x128xf32, #tpu.memory_space<vmem_shared>>) target_semaphore(%run_scoped3A : memref<!tpu.dma_semaphore, #tpu.memory_space<semaphore_mem>>)
      %dma_wait3A = arith.constant 0 : i32
      %dma_wait3A_42 = tpu.memref_slice %arg11[%add3A_22, %dma_wait3A] : memref<10240x128xf32, #tpu.memory_space<vmem_shared>> -> memref<128x128xf32, #tpu.memory_space<vmem_shared>>
      %dma_wait3A_43 = arith.constant 0 : i32
      %dma_wait3A_44 = tpu.memref_slice %arg11[%add3A_22, %dma_wait3A_43] : memref<10240x128xf32, #tpu.memory_space<vmem_shared>> -> memref<128x128xf32, #tpu.memory_space<vmem_shared>>
      tpu.wait_dma2 semaphore(%run_scoped3A : memref<!tpu.dma_semaphore, #tpu.memory_space<semaphore_mem>>) src(%arg10 : memref<128x128xf32, #tpu.memory_space<vmem>>) dst(%dma_wait3A_44 : memref<128x128xf32, #tpu.memory_space<vmem_shared>>)
      tpu.yield
    }) : () -> ()
    %mul3A_23 = arith.constant 640 : i32
    %mul3A_24 = arith.muli %arg1, %mul3A_23 : i32
    %add3A_25 = arith.constant 512 : i32
    %add3A_26 = arith.addi %mul3A_24, %add3A_25 : i32
    "tpu.region"() ({
      %run_scoped3A = tpu.sem_alloc : memref<!tpu.dma_semaphore, #tpu.memory_space<semaphore_mem>>
      %dma_start3A = arith.constant 0 : i32
      %dma_start3A_39 = tpu.memref_slice %arg11[%add3A_26, %dma_start3A] : memref<10240x128xf32, #tpu.memory_space<vmem_shared>> -> memref<128x128xf32, #tpu.memory_space<vmem_shared>>
      %dma_start3A_40 = arith.constant 0 : i32
      %dma_start3A_41 = tpu.memref_slice %arg11[%add3A_26, %dma_start3A_40] : memref<10240x128xf32, #tpu.memory_space<vmem_shared>> -> memref<128x128xf32, #tpu.memory_space<vmem_shared>>
      tpu.enqueue_dma source(%arg10 : memref<128x128xf32, #tpu.memory_space<vmem>>) target(%dma_start3A_41 : memref<128x128xf32, #tpu.memory_space<vmem_shared>>) target_semaphore(%run_scoped3A : memref<!tpu.dma_semaphore, #tpu.memory_space<semaphore_mem>>)
      %dma_wait3A = arith.constant 0 : i32
      %dma_wait3A_42 = tpu.memref_slice %arg11[%add3A_26, %dma_wait3A] : memref<10240x128xf32, #tpu.memory_space<vmem_shared>> -> memref<128x128xf32, #tpu.memory_space<vmem_shared>>
      %dma_wait3A_43 = arith.constant 0 : i32
      %dma_wait3A_44 = tpu.memref_slice %arg11[%add3A_26, %dma_wait3A_43] : memref<10240x128xf32, #tpu.memory_space<vmem_shared>> -> memref<128x128xf32, #tpu.memory_space<vmem_shared>>
      tpu.wait_dma2 semaphore(%run_scoped3A : memref<!tpu.dma_semaphore, #tpu.memory_space<semaphore_mem>>) src(%arg10 : memref<128x128xf32, #tpu.memory_space<vmem>>) dst(%dma_wait3A_44 : memref<128x128xf32, #tpu.memory_space<vmem_shared>>)
      tpu.yield
    }) : () -> ()
    %barrier3A = arith.constant 0 : index
    tpu.barrier barrier_id(%barrier3A)
    %scan3A_27 = arith.constant 0 : i32
    %scan3A_28 = arith.constant 0 : i32
    %scan3A_29 = arith.constant 79 : i32
    %scan3A_30 = arith.addi %scan3A_28, %scan3A_29 : i32
    %scan3A_31 = arith.constant 1 : i32
    %scan3A_32 = scf.for %scan3A_39 = %scan3A_28 to %scan3A_30 step %scan3A_31 iter_args(%scan3A_40 = %scan3A_27) -> (i32)  : i32 {
      %mul3A_41 = arith.constant 10112 : i32
      %mul3A_42 = arith.muli %add3A, %mul3A_41 : i32
      %mul3A_43 = arith.constant 128 : i32
      %mul3A_44 = arith.muli %scan3A_39, %mul3A_43 : i32
      %add3A_45 = arith.addi %mul3A_42, %mul3A_44 : i32
      "tpu.region"() ({
        %run_scoped3A = tpu.sem_alloc : memref<!tpu.dma_semaphore, #tpu.memory_space<semaphore_mem>>
        %dma_start3A_58 = tpu.memref_slice %arg3[%add3A_45] : memref<323584xi32, #tpu.memory_space<hbm>> -> memref<128xi32, #tpu.memory_space<hbm>>
        %dma_start3A_59 = tpu.memref_slice %arg3[%add3A_45] : memref<323584xi32, #tpu.memory_space<hbm>> -> memref<128xi32, #tpu.memory_space<hbm>>
        tpu.enqueue_dma source(%dma_start3A_59 : memref<128xi32, #tpu.memory_space<hbm>>) target(%arg7 : memref<128xi32, #tpu.memory_space<vmem>>) target_semaphore(%run_scoped3A : memref<!tpu.dma_semaphore, #tpu.memory_space<semaphore_mem>>)
        %dma_wait3A_60 = tpu.memref_slice %arg3[%add3A_45] : memref<323584xi32, #tpu.memory_space<hbm>> -> memref<128xi32, #tpu.memory_space<hbm>>
        %dma_wait3A_61 = tpu.memref_slice %arg3[%add3A_45] : memref<323584xi32, #tpu.memory_space<hbm>> -> memref<128xi32, #tpu.memory_space<hbm>>
        tpu.wait_dma2 semaphore(%run_scoped3A : memref<!tpu.dma_semaphore, #tpu.memory_space<semaphore_mem>>) src(%dma_wait3A_61 : memref<128xi32, #tpu.memory_space<hbm>>) dst(%arg7 : memref<128xi32, #tpu.memory_space<vmem>>)
        tpu.yield
      }) : () -> ()
      "tpu.region"() ({
        %run_scoped3A = tpu.sem_alloc : memref<!tpu.dma_semaphore, #tpu.memory_space<semaphore_mem>>
        %dma_start3A_58 = tpu.memref_slice %arg4[%add3A_45] : memref<323584xi32, #tpu.memory_space<hbm>> -> memref<128xi32, #tpu.memory_space<hbm>>
        %dma_start3A_59 = tpu.memref_slice %arg4[%add3A_45] : memref<323584xi32, #tpu.memory_space<hbm>> -> memref<128xi32, #tpu.memory_space<hbm>>
        tpu.enqueue_dma source(%dma_start3A_59 : memref<128xi32, #tpu.memory_space<hbm>>) target(%arg8 : memref<128xi32, #tpu.memory_space<vmem>>) target_semaphore(%run_scoped3A : memref<!tpu.dma_semaphore, #tpu.memory_space<semaphore_mem>>)
        %dma_wait3A_60 = tpu.memref_slice %arg4[%add3A_45] : memref<323584xi32, #tpu.memory_space<hbm>> -> memref<128xi32, #tpu.memory_space<hbm>>
        %dma_wait3A_61 = tpu.memref_slice %arg4[%add3A_45] : memref<323584xi32, #tpu.memory_space<hbm>> -> memref<128xi32, #tpu.memory_space<hbm>>
        tpu.wait_dma2 semaphore(%run_scoped3A : memref<!tpu.dma_semaphore, #tpu.memory_space<semaphore_mem>>) src(%dma_wait3A_61 : memref<128xi32, #tpu.memory_space<hbm>>) dst(%arg8 : memref<128xi32, #tpu.memory_space<vmem>>)
        tpu.yield
      }) : () -> ()
      "tpu.region"() ({
        %run_scoped3A = tpu.sem_alloc : memref<!tpu.dma_semaphore, #tpu.memory_space<semaphore_mem>>
        %dma_start3A_58 = tpu.memref_slice %arg5[%add3A_45] : memref<323584xf32, #tpu.memory_space<hbm>> -> memref<128xf32, #tpu.memory_space<hbm>>
        %dma_start3A_59 = tpu.memref_slice %arg5[%add3A_45] : memref<323584xf32, #tpu.memory_space<hbm>> -> memref<128xf32, #tpu.memory_space<hbm>>
        tpu.enqueue_dma source(%dma_start3A_59 : memref<128xf32, #tpu.memory_space<hbm>>) target(%arg9 : memref<128xf32, #tpu.memory_space<vmem>>) target_semaphore(%run_scoped3A : memref<!tpu.dma_semaphore, #tpu.memory_space<semaphore_mem>>)
        %dma_wait3A_60 = tpu.memref_slice %arg5[%add3A_45] : memref<323584xf32, #tpu.memory_space<hbm>> -> memref<128xf32, #tpu.memory_space<hbm>>
        %dma_wait3A_61 = tpu.memref_slice %arg5[%add3A_45] : memref<323584xf32, #tpu.memory_space<hbm>> -> memref<128xf32, #tpu.memory_space<hbm>>
        tpu.wait_dma2 semaphore(%run_scoped3A : memref<!tpu.dma_semaphore, #tpu.memory_space<semaphore_mem>>) src(%dma_wait3A_61 : memref<128xf32, #tpu.memory_space<hbm>>) dst(%arg9 : memref<128xf32, #tpu.memory_space<vmem>>)
        tpu.yield
      }) : () -> ()
      %dma_start3A = arith.constant 0 : i32
      %dma_start3A_46 = arith.constant 0 : i32
      %dma_start3A_47 = tpu.memref_slice %arg2[%dma_start3A, %dma_start3A_46] : memref<10240x128xf32, #tpu.memory_space<hbm>> -> memref<10240x128xf32, #tpu.memory_space<hbm>>
      tpu.enqueue_indirect_dma source(%dma_start3A_47 : memref<10240x128xf32, #tpu.memory_space<hbm>>) target(%arg10 : memref<128x128xf32, #tpu.memory_space<vmem>>) offsets(%arg7 : memref<128xi32, #tpu.memory_space<vmem>>) semaphore(%arg12 : memref<!tpu.dma_semaphore, #tpu.memory_space<semaphore_mem>>)
      %dma_wait3A = arith.constant 0 : i32
      %dma_wait3A_48 = arith.constant 0 : i32
      %dma_wait3A_49 = tpu.memref_slice %arg2[%dma_wait3A, %dma_wait3A_48] : memref<10240x128xf32, #tpu.memory_space<hbm>> -> memref<10240x128xf32, #tpu.memory_space<hbm>>
      tpu.wait_indirect_dma semaphore(%arg12 : memref<!tpu.dma_semaphore, #tpu.memory_space<semaphore_mem>>) src(%dma_wait3A_49 : memref<10240x128xf32, #tpu.memory_space<hbm>>) dst(%arg10 : memref<128x128xf32, #tpu.memory_space<vmem>>)
      %scan3A_50 = arith.constant 0 : i32
      %scan3A_51 = arith.constant 0 : i32
      %scan3A_52 = arith.constant 128 : i32
      %scan3A_53 = arith.addi %scan3A_51, %scan3A_52 : i32
      %scan3A_54 = arith.constant 1 : i32
      %scan3A_55 = scf.for %scan3A_58 = %scan3A_51 to %scan3A_53 step %scan3A_54 iter_args(%scan3A_59 = %scan3A_50) -> (i32)  : i32 {
        %broadcast_in_dim3A = vector.broadcast %scan3A_58 : i32 to vector<16xi32>
        %gather3A = tpu.vector_load_idx %arg9[%broadcast_in_dim3A] : memref<128xf32, #tpu.memory_space<vmem>>[vector<16xi32>], vector<16xf32>,
        %get3A = arith.index_cast %scan3A_58 : i32 to index
        %get3A_60 = arith.constant 0 : index
        %get3A_61 = tpu.vector_load %arg10[%get3A, %get3A_60] {strides = array<i32>} : memref<128x128xf32, #tpu.memory_space<vmem>>, vector<16xf32>,
        %mul3A_62 = arith.mulf %get3A_61, %gather3A : vector<16xf32>
        %swap3A = arith.index_cast %scan3A_58 : i32 to index
        %swap3A_63 = arith.constant 0 : index
        %swap3A_64 = tpu.vector_load %arg10[%swap3A, %swap3A_63] {strides = array<i32>} : memref<128x128xf32, #tpu.memory_space<vmem>>, vector<16xf32>,
        tpu.vector_store %arg10[%swap3A, %swap3A_63], %mul3A_62 {strides = array<i32>} : memref<128x128xf32, #tpu.memory_space<vmem>>, vector<16xf32>,
        %get3A_65 = arith.index_cast %scan3A_58 : i32 to index
        %get3A_66 = arith.constant 16 : index
        %get3A_67 = tpu.vector_load %arg10[%get3A_65, %get3A_66] {strides = array<i32>} : memref<128x128xf32, #tpu.memory_space<vmem>>, vector<16xf32>,
        %mul3A_68 = arith.mulf %get3A_67, %gather3A : vector<16xf32>
        %swap3A_69 = arith.index_cast %scan3A_58 : i32 to index
        %swap3A_70 = arith.constant 16 : index
        %swap3A_71 = tpu.vector_load %arg10[%swap3A_69, %swap3A_70] {strides = array<i32>} : memref<128x128xf32, #tpu.memory_space<vmem>>, vector<16xf32>,
        tpu.vector_store %arg10[%swap3A_69, %swap3A_70], %mul3A_68 {strides = array<i32>} : memref<128x128xf32, #tpu.memory_space<vmem>>, vector<16xf32>,
        %get3A_72 = arith.index_cast %scan3A_58 : i32 to index
        %get3A_73 = arith.constant 32 : index
        %get3A_74 = tpu.vector_load %arg10[%get3A_72, %get3A_73] {strides = array<i32>} : memref<128x128xf32, #tpu.memory_space<vmem>>, vector<16xf32>,
        %mul3A_75 = arith.mulf %get3A_74, %gather3A : vector<16xf32>
        %swap3A_76 = arith.index_cast %scan3A_58 : i32 to index
        %swap3A_77 = arith.constant 32 : index
        %swap3A_78 = tpu.vector_load %arg10[%swap3A_76, %swap3A_77] {strides = array<i32>} : memref<128x128xf32, #tpu.memory_space<vmem>>, vector<16xf32>,
        tpu.vector_store %arg10[%swap3A_76, %swap3A_77], %mul3A_75 {strides = array<i32>} : memref<128x128xf32, #tpu.memory_space<vmem>>, vector<16xf32>,
        %get3A_79 = arith.index_cast %scan3A_58 : i32 to index
        %get3A_80 = arith.constant 48 : index
        %get3A_81 = tpu.vector_load %arg10[%get3A_79, %get3A_80] {strides = array<i32>} : memref<128x128xf32, #tpu.memory_space<vmem>>, vector<16xf32>,
        %mul3A_82 = arith.mulf %get3A_81, %gather3A : vector<16xf32>
        %swap3A_83 = arith.index_cast %scan3A_58 : i32 to index
        %swap3A_84 = arith.constant 48 : index
        %swap3A_85 = tpu.vector_load %arg10[%swap3A_83, %swap3A_84] {strides = array<i32>} : memref<128x128xf32, #tpu.memory_space<vmem>>, vector<16xf32>,
        tpu.vector_store %arg10[%swap3A_83, %swap3A_84], %mul3A_82 {strides = array<i32>} : memref<128x128xf32, #tpu.memory_space<vmem>>, vector<16xf32>,
        %get3A_86 = arith.index_cast %scan3A_58 : i32 to index
        %get3A_87 = arith.constant 64 : index
        %get3A_88 = tpu.vector_load %arg10[%get3A_86, %get3A_87] {strides = array<i32>} : memref<128x128xf32, #tpu.memory_space<vmem>>, vector<16xf32>,
        %mul3A_89 = arith.mulf %get3A_88, %gather3A : vector<16xf32>
        %swap3A_90 = arith.index_cast %scan3A_58 : i32 to index
        %swap3A_91 = arith.constant 64 : index
        %swap3A_92 = tpu.vector_load %arg10[%swap3A_90, %swap3A_91] {strides = array<i32>} : memref<128x128xf32, #tpu.memory_space<vmem>>, vector<16xf32>,
        tpu.vector_store %arg10[%swap3A_90, %swap3A_91], %mul3A_89 {strides = array<i32>} : memref<128x128xf32, #tpu.memory_space<vmem>>, vector<16xf32>,
        %get3A_93 = arith.index_cast %scan3A_58 : i32 to index
        %get3A_94 = arith.constant 80 : index
        %get3A_95 = tpu.vector_load %arg10[%get3A_93, %get3A_94] {strides = array<i32>} : memref<128x128xf32, #tpu.memory_space<vmem>>, vector<16xf32>,
        %mul3A_96 = arith.mulf %get3A_95, %gather3A : vector<16xf32>
        %swap3A_97 = arith.index_cast %scan3A_58 : i32 to index
        %swap3A_98 = arith.constant 80 : index
        %swap3A_99 = tpu.vector_load %arg10[%swap3A_97, %swap3A_98] {strides = array<i32>} : memref<128x128xf32, #tpu.memory_space<vmem>>, vector<16xf32>,
        tpu.vector_store %arg10[%swap3A_97, %swap3A_98], %mul3A_96 {strides = array<i32>} : memref<128x128xf32, #tpu.memory_space<vmem>>, vector<16xf32>,
        %get3A_100 = arith.index_cast %scan3A_58 : i32 to index
        %get3A_101 = arith.constant 96 : index
        %get3A_102 = tpu.vector_load %arg10[%get3A_100, %get3A_101] {strides = array<i32>} : memref<128x128xf32, #tpu.memory_space<vmem>>, vector<16xf32>,
        %mul3A_103 = arith.mulf %get3A_102, %gather3A : vector<16xf32>
        %swap3A_104 = arith.index_cast %scan3A_58 : i32 to index
        %swap3A_105 = arith.constant 96 : index
        %swap3A_106 = tpu.vector_load %arg10[%swap3A_104, %swap3A_105] {strides = array<i32>} : memref<128x128xf32, #tpu.memory_space<vmem>>, vector<16xf32>,
        tpu.vector_store %arg10[%swap3A_104, %swap3A_105], %mul3A_103 {strides = array<i32>} : memref<128x128xf32, #tpu.memory_space<vmem>>, vector<16xf32>,
        %get3A_107 = arith.index_cast %scan3A_58 : i32 to index
        %get3A_108 = arith.constant 112 : index
        %get3A_109 = tpu.vector_load %arg10[%get3A_107, %get3A_108] {strides = array<i32>} : memref<128x128xf32, #tpu.memory_space<vmem>>, vector<16xf32>,
        %mul3A_110 = arith.mulf %get3A_109, %gather3A : vector<16xf32>
        %swap3A_111 = arith.index_cast %scan3A_58 : i32 to index
        %swap3A_112 = arith.constant 112 : index
        %swap3A_113 = tpu.vector_load %arg10[%swap3A_111, %swap3A_112] {strides = array<i32>} : memref<128x128xf32, #tpu.memory_space<vmem>>, vector<16xf32>,
        tpu.vector_store %arg10[%swap3A_111, %swap3A_112], %mul3A_110 {strides = array<i32>} : memref<128x128xf32, #tpu.memory_space<vmem>>, vector<16xf32>,
        %scan3A_114 = arith.constant 0 : i32
        scf.yield %scan3A_114 : i32
      }
      %scan3A_56 = arith.constant 128 : i32
      "tpu.region"() ({
        %run_scoped3A = tpu.sem_alloc : memref<!tpu.dma_semaphore, #tpu.memory_space<semaphore_mem>>
        %dma_start3A_58 = arith.constant 0 : i32
        %dma_start3A_59 = arith.constant 0 : i32
        %dma_start3A_60 = tpu.memref_slice %arg11[%dma_start3A_58, %dma_start3A_59] : memref<10240x128xf32, #tpu.memory_space<vmem_shared>> -> memref<10240x128xf32, #tpu.memory_space<vmem_shared>>
        tpu.enqueue_indirect_dma source(%arg10 : memref<128x128xf32, #tpu.memory_space<vmem>>) target(%dma_start3A_60 : memref<10240x128xf32, #tpu.memory_space<vmem_shared>>) offsets(%arg8 : memref<128xi32, #tpu.memory_space<vmem>>) semaphore(%run_scoped3A : memref<!tpu.dma_semaphore, #tpu.memory_space<semaphore_mem>>) {add = true}
        %dma_wait3A_61 = arith.constant 0 : i32
        %dma_wait3A_62 = arith.constant 0 : i32
        %dma_wait3A_63 = tpu.memref_slice %arg11[%dma_wait3A_61, %dma_wait3A_62] : memref<10240x128xf32, #tpu.memory_space<vmem_shared>> -> memref<10240x128xf32, #tpu.memory_space<vmem_shared>>
        tpu.wait_indirect_dma semaphore(%run_scoped3A : memref<!tpu.dma_semaphore, #tpu.memory_space<semaphore_mem>>) src(%arg10 : memref<128x128xf32, #tpu.memory_space<vmem>>) dst(%dma_wait3A_63 : memref<10240x128xf32, #tpu.memory_space<vmem_shared>>)
        tpu.yield
      }) : () -> ()
      %scan3A_57 = arith.constant 0 : i32
      scf.yield %scan3A_57 : i32
    }
    %scan3A_33 = arith.constant 79 : i32
    %barrier3A_34 = arith.constant 0 : index
    tpu.barrier barrier_id(%barrier3A_34)
    %mul3A_35 = arith.constant 640 : i32
    %mul3A_36 = arith.muli %arg1, %mul3A_35 : i32
    %mul3A_37 = arith.constant 640 : i32
    %mul3A_38 = arith.muli %arg1, %mul3A_37 : i32
    "tpu.region"() ({
      %run_scoped3A = tpu.sem_alloc : memref<!tpu.dma_semaphore, #tpu.memory_space<semaphore_mem>>
      %dma_start3A = arith.constant 0 : i32
      %dma_start3A_39 = tpu.memref_slice %arg6[%arg0, %mul3A_38, %dma_start3A] : memref<2x10240x128xf32, #tpu.memory_space<hbm>> -> memref<1x640x128xf32, #tpu.memory_space<hbm>>
      %dma_start3A_40 = tpu.memref_squeeze %dma_start3A_39 : memref<1x640x128xf32, #tpu.memory_space<hbm>> -> memref<640x128xf32, #tpu.memory_space<hbm>>
      %dma_start3A_41 = arith.constant 0 : i32
      %dma_start3A_42 = tpu.memref_slice %arg11[%mul3A_36, %dma_start3A_41] : memref<10240x128xf32, #tpu.memory_space<vmem_shared>> -> memref<640x128xf32, #tpu.memory_space<vmem_shared>>
      tpu.enqueue_dma source(%dma_start3A_42 : memref<640x128xf32, #tpu.memory_space<vmem_shared>>) target(%dma_start3A_40 : memref<640x128xf32, #tpu.memory_space<hbm>>) target_semaphore(%run_scoped3A : memref<!tpu.dma_semaphore, #tpu.memory_space<semaphore_mem>>)
      %dma_wait3A = arith.constant 0 : i32
      %dma_wait3A_43 = tpu.memref_slice %arg6[%arg0, %mul3A_38, %dma_wait3A] : memref<2x10240x128xf32, #tpu.memory_space<hbm>> -> memref<1x640x128xf32, #tpu.memory_space<hbm>>
      %dma_wait3A_44 = tpu.memref_squeeze %dma_wait3A_43 : memref<1x640x128xf32, #tpu.memory_space<hbm>> -> memref<640x128xf32, #tpu.memory_space<hbm>>
      %dma_wait3A_45 = arith.constant 0 : i32
      %dma_wait3A_46 = tpu.memref_slice %arg11[%mul3A_36, %dma_wait3A_45] : memref<10240x128xf32, #tpu.memory_space<vmem_shared>> -> memref<640x128xf32, #tpu.memory_space<vmem_shared>>
      tpu.wait_dma2 semaphore(%run_scoped3A : memref<!tpu.dma_semaphore, #tpu.memory_space<semaphore_mem>>) src(%dma_wait3A_46 : memref<640x128xf32, #tpu.memory_space<vmem_shared>>) dst(%dma_wait3A_44 : memref<640x128xf32, #tpu.memory_space<hbm>>)
      tpu.yield
    }) : () -> ()
    return
  }
}

module attributes {stable_mosaic.version = 14 : i64} {
  func.func @body(%arg0: i32, %arg1: memref<2x512x128xf32, #tpu.memory_space<vmem>>, %arg2: memref<512x128xf32, #tpu.memory_space<vmem>>) attributes {dimension_semantics = [#tpu.dimension_semantics<arbitrary>], iteration_bounds = array<i64: 20>, scalar_prefetch = 0 : i64, scratch_operands = 0 : i64, tpu.core_type = #tpu.core_type<tc>, window_params = [{transform_indices = @transform_0, window_bounds = array<i64: 2, 512, 128>}, {transform_indices = @transform_1, window_bounds = array<i64: 512, 128>}]} {
    %get3A = arith.constant 0 : index
    %get3A_0 = arith.constant 0 : index
    %get3A_1 = arith.constant 0 : index
    %get3A_2 = vector.load %arg1[%get3A, %get3A_0, %get3A_1] : memref<2x512x128xf32, #tpu.memory_space<vmem>>, vector<1x512x128xf32>
    %get3A_3 = vector.shape_cast %get3A_2 : vector<1x512x128xf32> to vector<512x128xf32>
    %get3A_4 = arith.constant 1 : index
    %get3A_5 = arith.constant 0 : index
    %get3A_6 = arith.constant 0 : index
    %get3A_7 = vector.load %arg1[%get3A_4, %get3A_5, %get3A_6] : memref<2x512x128xf32, #tpu.memory_space<vmem>>, vector<1x512x128xf32>
    %get3A_8 = vector.shape_cast %get3A_7 : vector<1x512x128xf32> to vector<512x128xf32>
    %add3A = arith.addf %get3A_3, %get3A_8 : vector<512x128xf32>
    %swap3A = arith.constant 0 : index
    %swap3A_9 = arith.constant 0 : index
    %swap3A_10 = vector.load %arg2[%swap3A, %swap3A_9] : memref<512x128xf32, #tpu.memory_space<vmem>>, vector<512x128xf32>
    tpu.vector_store %arg2[%swap3A, %swap3A_9], %add3A {strides = array<i32>} : memref<512x128xf32, #tpu.memory_space<vmem>>, vector<512x128xf32>,
    return
  }
  func.func @transform_0(%arg0: i32) -> (i32, i32, i32) {
    %c0_i32 = arith.constant 0 : i32
    %c0_i32_0 = arith.constant 0 : i32
    %c0_i32_1 = arith.constant 0 : i32
    return %c0_i32, %arg0, %c0_i32_0 : i32, i32, i32
  }
  func.func @transform_1(%arg0: i32) -> (i32, i32) {
    %c0_i32 = arith.constant 0 : i32
    %c0_i32_0 = arith.constant 0 : i32
    return %arg0, %c0_i32 : i32, i32
  }
}

module attributes {stable_mosaic.version = 14 : i64} {
  func.func @body(%arg0: i32, %arg1: memref<2x512x128xf32, #tpu.memory_space<vmem>>, %arg2: memref<512x128xf32, #tpu.memory_space<vmem>>) attributes {dimension_semantics = [#tpu.dimension_semantics<arbitrary>], iteration_bounds = array<i64: 20>, scalar_prefetch = 0 : i64, scratch_operands = 0 : i64, tpu.core_type = #tpu.core_type<tc>, window_params = [{transform_indices = @transform_0, window_bounds = array<i64: 2, 512, 128>}, {transform_indices = @transform_1, window_bounds = array<i64: 512, 128>}]} {
    %get3A = arith.constant 0 : index
    %get3A_0 = arith.constant 0 : index
    %get3A_1 = arith.constant 0 : index
    %get3A_2 = vector.load %arg1[%get3A, %get3A_0, %get3A_1] : memref<2x512x128xf32, #tpu.memory_space<vmem>>, vector<1x512x128xf32>
    %get3A_3 = vector.shape_cast %get3A_2 : vector<1x512x128xf32> to vector<512x128xf32>
    %get3A_4 = arith.constant 1 : index
    %get3A_5 = arith.constant 0 : index
    %get3A_6 = arith.constant 0 : index
    %get3A_7 = vector.load %arg1[%get3A_4, %get3A_5, %get3A_6] : memref<2x512x128xf32, #tpu.memory_space<vmem>>, vector<1x512x128xf32>
    %get3A_8 = vector.shape_cast %get3A_7 : vector<1x512x128xf32> to vector<512x128xf32>
    %add3A = arith.addf %get3A_3, %get3A_8 : vector<512x128xf32>
    %max3A = arith.constant 0.000000e+00 : f32
    %max3A_9 = vector.broadcast %max3A : f32 to vector<512x128xf32>
    %max3A_10 = arith.maximumf %add3A, %max3A_9 : vector<512x128xf32>
    %swap3A = arith.constant 0 : index
    %swap3A_11 = arith.constant 0 : index
    %swap3A_12 = vector.load %arg2[%swap3A, %swap3A_11] : memref<512x128xf32, #tpu.memory_space<vmem>>, vector<512x128xf32>
    tpu.vector_store %arg2[%swap3A, %swap3A_11], %max3A_10 {strides = array<i32>} : memref<512x128xf32, #tpu.memory_space<vmem>>, vector<512x128xf32>,
    return
  }
  func.func @transform_0(%arg0: i32) -> (i32, i32, i32) {
    %c0_i32 = arith.constant 0 : i32
    %c0_i32_0 = arith.constant 0 : i32
    %c0_i32_1 = arith.constant 0 : i32
    return %c0_i32, %arg0, %c0_i32_0 : i32, i32, i32
  }
  func.func @transform_1(%arg0: i32) -> (i32, i32) {
    %c0_i32 = arith.constant 0 : i32
    %c0_i32_0 = arith.constant 0 : i32
    return %arg0, %c0_i32 : i32, i32
  }
}

</mosaic_0001>

<sc_bundles>
// kernel: kernel.11.cloned.1.call-start
scs
__scs_entry_jumppad:
0x0: {  	(pc) =	sbr.rel $0x88, $3  }
0x1: {  	(tag) =	ssettag $0x0;
	lr =	simm.s32 $0x1  }
0x2: {  	[smem:$0x3F99] =	sst lr;
	_ =	strace $0xD0000000  }
0x3: {  	_ = 	snop  }
0x4: {  	_ = 	snop  }
0x5: {  	_ = 	snop  }
0x6: {  	_ = 	snop  }
0x7: {  	_ = 	snop  }
__scs_overlays_trampoline_lowered:
0x8: {  	[smem:$0x3FA8] =	sst s0  }
0x9: {  	[smem:$0x3FA9] =	sst s1  }
0xa: {  	[smem:$0x3FAA] =	sst s2  }
0xb: {  	[smem:$0x3FAB] =	sst s3  }
0xc: {  	[smem:$0x3FAC] =	sst s4  }
0xd: {  	[smem:$0x3FAD] =	sst s5  }
0xe: {  	[smem:$0x3FAE] =	sst s6  }
0xf: {  	[smem:$0x3FAF] =	sst s7  }
0x10: {  	[smem:$0x3FB0] =	sst s8  }
0x11: {  	[smem:$0x3FB1] =	sst s9;
	s0 =	simm.s32 @!p0 $0x0  }
0x12: {  	s1 =	sld [smem:$0x3F97];
	s0 =	simm.s32 @p0 $0x1  }
0x13: {  	[smem:$0x3FB2] =	sst s0;
	s0 =	simm.s32 @!p1 $0x0  }
0x14: {  	s2 =	sld [smem:$0x3F96];
	s0 =	simm.s32 @p1 $0x1  }
0x15: {  	[smem:$0x3FB3] =	sst s0;
	s0 =	simm.s32 @!p2 $0x0  }
0x16: {  	s3 =	sld [smem:$0x3FDB];
	s0 =	simm.s32 @p2 $0x1  }
0x17: {  	s4 =	simm.s32 $0x1BF5;
	[smem:$0x3FB5] =	sst s0  }
0x18: {  	s0 =	sld [smem:$0x3F98];
	_ =	swait.ge [sflag:s4], $0x0  }
0x19: {  	s7 =	sld [smem:$0x3F99]  }
0x1a: {  	s8 =	sadd.s32 $0xFFFFE003, lr  }
0x1b: {  	s9 =	sadd.s32 $0xFFFFFEF7, lr;
	s5 =	simm.s32 $0xFFFFFFFF;
	p2 =	slt.u32 s8, $0xFFFFF086  }
0x1c: {  	p1 =	slt.u32 s9, $0xF7A;
	s5 =	simm.s32 @!p2 $0x0  }
0x1d: {  	s5 =	simm.s32 @p1 $0x1;
	p0 =	seq.s32 s7, s2  }
0x1e: {  	s7 =	smul.u32 @!p0 $0xF7A, s2;
	p2 =	seq.s32 @!p0 s5, $0x0  }
0x1f: {  	s9 =	smul.u32 $0xF7A, s1;
	s8 =	simm.s32 @!p0 $0x1BF5;
	p2 =	por !p2, p0  }
0x20: {  	[sflag:s8] =	ssyncset.s32 @!p0 $0xFFFFF086;
	s6 =	sadd.s32 @!p0 s3, s7;
	s7 =	simm.s32 @!p0 $0x108  }
0x21: {  	s3 =	sadd.s32 s3, s9;
	s6 =	sadd.s32 @!p0 $0x88, s6;
	s7 =	simm.s32 @p2 $0x1082  }
0x22: {  	[simem:s7], [sflag:s8] =	dma.local @!p0 [hbm:s6], $0xF7A  }
0x23: {  	s9 =	sor.u32 $0xD0000000, s2;
	s6 =	simm.s32 $0x108;
	_ =	swait.ge @!p0 [sflag:s8], $0x0  }
0x24: {  	s3 =	sadd.s32 $0x88, s3;
	s6 =	simm.s32 @!p1 $0x1082;
	[sflag:s4] =	ssyncset.s32 $0xFFFFF086  }
0x25: {  	[simem:s6], [sflag:s4] =	dma.local [hbm:s3], $0xF7A  }
0x26: {  	[smem:$0x3F99] =	sst s1;
	(tag) =	ssettag s2;
	_ =	strace s9  }
0x27: {  	s1 =	sld [smem:$0x3FA9]  }
0x28: {  	s2 =	sld [smem:$0x3FAA]  }
0x29: {  	s4 =	sld [smem:$0x3FAC]  }
0x2a: {  	p0 =	seq.s32 s5, $0x0;
	s5 =	sld [smem:$0x3FAD]  }
0x2b: {  	s6 =	sld [smem:$0x3FAE]  }
0x2c: {  	s7 =	sld [smem:$0x3FAF]  }
0x2d: {  	s3 =	simm.s32 $0x108;
	s8 =	sld [smem:$0x3FB0]  }
0x2e: {  	s3 =	simm.s32 @!p0 $0x1082;
	s9 =	sld [smem:$0x3FB1]  }
0x2f: {  	lr =	sadd.s32 s0, s3;
	s0 =	sld [smem:$0x3FA8]  }
0x30: {  	s3 =	sld [smem:$0x3FAB]  }
0x31: {  	[smem:$0x3FB4] =	sst s10  }
0x32: {  	s10 =	sld [smem:$0x3FB2];
	_ =	sdelay $0x3  }
0x33: {  	p0 =	seq.s32 s10, $0x1;
	s10 =	sld [smem:$0x3FB4];
	_ =	sdelay $0x3  }
0x34: {  	[smem:$0x3FB4] =	sst s10  }
0x35: {  	s10 =	sld [smem:$0x3FB3];
	_ =	sdelay $0x3  }
0x36: {  	p1 =	seq.s32 s10, $0x1;
	s10 =	sld [smem:$0x3FB4];
	_ =	sdelay $0x3  }
0x37: {  	[smem:$0x3FB4] =	sst s10  }
0x38: {  	s10 =	sld [smem:$0x3FB5]  }
0x39: {  	_ = 	snop;
	(pc) =	sbr.ind lr, $3  }
0x3a: {  	_ = 	snop  }
0x3b: {  	_ = 	snop  }
0x3c: {  	p2 =	seq.s32 s10, $0x1;
	s10 =	sld [smem:$0x3FB4]  }
0x3d: {  	_ =	shalt  }
0x3e: {  	_ =	shalt  }
0x3f: {  	_ =	shalt  }
0x40: {  	_ =	shalt  }
0x41: {  	_ =	shalt  }
0x42: {  	_ =	shalt  }
0x43: {  	_ =	shalt  }
0x44: {  	_ =	shalt  }
0x45: {  	_ =	shalt  }
0x46: {  	_ =	shalt  }
0x47: {  	_ =	shalt  }
0x48: {  	_ =	shalt  }
0x49: {  	_ =	shalt  }
0x4a: {  	_ =	shalt  }
0x4b: {  	_ =	shalt  }
0x4c: {  	_ =	shalt  }
0x4d: {  	_ =	shalt  }
0x4e: {  	_ =	shalt  }
0x4f: {  	_ =	shalt  }
0x50: {  	_ =	shalt  }
0x51: {  	_ =	shalt  }
0x52: {  	_ =	shalt  }
0x53: {  	_ =	shalt  }
0x54: {  	_ =	shalt  }
0x55: {  	_ =	shalt  }
0x56: {  	_ =	shalt  }
0x57: {  	_ =	shalt  }
0x58: {  	_ =	shalt  }
0x59: {  	_ =	shalt  }
0x5a: {  	_ =	shalt  }
0x5b: {  	_ =	shalt  }
0x5c: {  	_ =	shalt  }
0x5d: {  	_ =	shalt  }
0x5e: {  	_ =	shalt  }
0x5f: {  	_ =	shalt  }
0x60: {  	_ =	shalt  }
0x61: {  	_ =	shalt  }
0x62: {  	_ =	shalt  }
0x63: {  	_ =	shalt  }
0x64: {  	_ =	shalt  }
0x65: {  	_ =	shalt  }
0x66: {  	_ =	shalt  }
0x67: {  	_ =	shalt  }
0x68: {  	_ =	shalt  }
0x69: {  	_ =	shalt  }
0x6a: {  	_ =	shalt  }
0x6b: {  	_ =	shalt  }
0x6c: {  	_ =	shalt  }
0x6d: {  	_ =	shalt  }
0x6e: {  	_ =	shalt  }
0x6f: {  	_ =	shalt  }
0x70: {  	_ =	shalt  }
0x71: {  	_ =	shalt  }
0x72: {  	_ =	shalt  }
0x73: {  	_ =	shalt  }
0x74: {  	_ =	shalt  }
0x75: {  	_ =	shalt  }
0x76: {  	_ =	shalt  }
0x77: {  	_ =	shalt  }
0x78: {  	_ =	shalt  }
0x79: {  	_ =	shalt  }
0x7a: {  	_ =	shalt  }
0x7b: {  	_ =	shalt  }
0x7c: {  	_ =	shalt  }
0x7d: {  	_ =	shalt  }
0x7e: {  	_ =	shalt  }
0x7f: {  	_ =	shalt  }
0x80: {  	_ =	shalt  }
0x81: {  	_ =	shalt  }
0x82: {  	_ =	shalt  }
0x83: {  	_ =	shalt  }
0x84: {  	_ =	shalt  }
0x85: {  	_ =	shalt  }
0x86: {  	_ =	shalt  }
0x87: {  	_ =	shalt  }
.Lfunc_end0:
.L_simem_size_0:
called_computation.1_lowered:
.L_overlay_start_0:
0x88: {  	s2 =	sld [smem:$0x3FD9]  }
0x89: {  	s3 =	sld [smem:$0x3FFE];
	_ =	sdelay $0x1  }
0x8a: {  	s1 =	srdreg.scid  }
0x8b: {  	s0 =	sand.u32 $0x1, s1  }
0x8c: {  	s17 =	sshll.u32 s0, $0xA;
	s2 =	sadd.s32 s3, s2  }
0x8d: {  	s2 =	sadd.s32 s2, s17  }
0x8e: {  	[smem:$0x3FC0] =	sst s2  }
0x8f: {  	_ = 	snop  }
0x90: {  	s2 =	sld [smem:$0x3FD0];
	(tm) =	ssettm $0x1  }
0x91: {  	s18 =	sld [smem:$0x3FFB];
	_ =	sdelay $0x3  }
0x92: {  	_ =	strace s18  }
0x93: {  	s3 =	sld [smem:$0x3FFC];
	_ =	sdelay $0x3  }
0x94: {  	_ =	strace s3  }
0x95: {  	s3 =	sld [smem:$0x3FFD];
	_ =	sdelay $0x3  }
0x96: {  	_ =	strace s3  }
0x97: {  	_ =	strace $0x8FFFFFFF  }
0x98: {  	s19 =	sld [smem:$0x3FDB];
	_ =	sdelay $0x1  }
0x99: {  	s4 =	simm.s32 $_scs_section_size  }
0x9a: {  	s5 =	simm.s32 $_size__tile_overlayer_lowered;
	s6 =	simm.s32 $_tile_overlayer_lowered  }
0x9b: {  	s22 =	simm.s32 $0x1BFF;
	s21 =	sshll.u32 s6, $0x1;
	s3 =	sadd.s32 s4, s19  }
0x9c: {  	s7 =	simm.s32 $0x0;
	s20 =	sshll.u32 s5, $0x1;
	s5 =	sadd.s32 s21, s3  }
0x9d: {  	[timem:s7], [sflag:s22] =	dma.local [hbm:s5], s20  }
0x9e: {  	_ =	swait.ge [sflag:s22], s20  }
0x9f: {  	s4 =	ssub.s32 $0x0, s20;
	[sflag:s22] =	ssyncset.done $0x0  }
0xa0: {  	[sflag:s22] =	ssyncadd.s32 s4;
	_ =	sdelay $0x1  }
0xa1: {  	s23 =	simm.s32 $0x1B8B  }
0xa2: {  	_ =	swait.ge [sflag:s23], $0x1  }
0xa3: {  	[sflag:s23] =	ssyncset.done $0x0  }
0xa4: {  	s25 =	simm.s32 $0x1B8E;
	s24 =	sld [smem:$0x3FFE];
	[sflag:s23] =	ssyncadd.s32 $0xFFFFFFFF  }
0xa5: {  	s26 =	simm.s32 $execute0_lowered;
	[smem:$0x3FD2] =	sst s25  }
0xa6: {  	s5 =	sshll.u32 s26, $0x1;
	_ =	strace $0x80000049;
	[dreg:$0x1] =	wrdreg $0xFFFFFFFF  }
0xa7: {  	s28 =	simm.s32 $_size_execute0_lowered;
	s3 =	sadd.s32 s3, s5;
	[dreg:$0x0] =	wrdreg $0x0  }
0xa8: {  	s5 =	sshll.u32 s28, $0x1;
	[dreg:$0x2] =	wrdreg s3  }
0xa9: {  	[dreg:$0x3] =	wrdreg s5  }
0xaa: {  	[dreg:$0x4] =	wrdreg $0xC0  }
0xab: {  	_ =	task [dreg:s7], $0x5FFFF  }
0xac: {  	[dreg:$0x1] =	wrdreg $0xFFFFFFFF  }
0xad: {  	[dreg:$0x0] =	wrdreg $0x60  }
0xae: {  	[dreg:$0x2] =	wrdreg s24  }
0xaf: {  	[dreg:$0x3] =	wrdreg s2  }
0xb0: {  	[dreg:$0x4] =	wrdreg $0x41800  }
0xb1: {  	[dreg:$0x5] =	wrdreg $0x9  }
0xb2: {  	_ =	task.clear_ibuf [dreg:s7], $0x6FFFF;
	_ =	strace $0x90000049  }
0xb3: {  	s29 =	simm.s32 $0x9;
	_ =	strace $0x8000004B  }
0xb4: {  	_ =	swait.ge [sflag:s29], $0x1  }
0xb5: {  	[sflag:s29] =	ssyncadd.s32 $0xFFFFFFFF  }
0xb6: {  	_ =	strace $0x9000004B  }
0xb7: {  	_ =	sfence  }
0xb8: {  	s30 =	sld [smem:$0x0];
	_ =	sdelay $0x2  }
0xb9: {  	s31 =	sshll.u32 s1, $0xD;
	s1 =	sshrl.u32 s1, $0x2  }
0xba: {  	s3 =	sand.u32 $0x4000, s31;
	s1 =	sadd.s32 s1, s30  }
0xbb: {  	s0 =	sor.u32 s3, s0;
	s1 =	sshll.u32 s1, $0x11  }
0xbc: {  	s0 =	sor.u32 s1, s0  }
0xbd: {  	s0 =	sadd.s32 $0x8F2B, s0  }
0xbe: {  	[sflag:s0] =	ssyncadd.remote.s32 $0x1  }
0xbf: {  	_ =	sfence.sel $0xFFFF  }
0xc0: {  	[dreg:$0x0] =	wrdreg $0xFFFFFFFF;
	(pc) =	sbr.abs _section_cstart, $3  }
0xc1: {  	[dreg:$0x1] =	wrdreg $0xFFFFFFFF  }
0xc2: {  	_ =	task.clear_ibuf [dreg:s7], $0x2FFFF;
	_ =	strace $0x9FFFFFFF  }
0xc3: {  	(tm) =	ssettm $0x7FFFFFFF  }
tec
execute0_lowered:
.L_overlay_start_1:
0x0: {  	(tag) =	ssettag $0x1  }
0x1: {  	s0 =	rddreg [dreg:$0x0]  }
0x2: {  	s3 =	rddreg [dreg:$0x1]  }
0x3: {  	s1 =	srdreg.scid;
	s4 =	rddreg [dreg:$0x2]  }
0x4: {  	s2 =	stileid.u32;
	s5 =	simm.s32 $0x0;
	s16 =	simm.s32 $0x180  }
0x5: {  	s17 =	simm.s32 $0x2;
	s18 =	simm.s32 $0x80;
	s19 =	simm.s32 $0x100  }
0x6: {  	s8 =	sand.u32 $0x1, s1;
	s1 =	rddreg [dreg:$0x3];
	s7 =	smul.u32 $0x14000, s2  }
0x7: {  	s20 =	simm.s32 $0x1;
	[smem:$0x7FF] =	sst s5;
	s10 =	smul.u32 $0x50000, s2  }
0x8: {  	s12 =	sshll.u32 s2, $0x1;
	s21 =	sshll.u32 s2, $0x6;
	s6 =	smul.u32 $0x140000, s8  }
0x9: {  	_ =	strace $0x8000004A;
	s31 =	ssub.s32 $0x2, s8;
	s13 =	sor.u32 s8, s12  }
0xa: {  	s21 =	sor.u32 $0x1C02, s21;
	s11 =	sshrl.u32 s31, $0x1;
	s10 =	sshrl.u32 s10, $0x2  }
0xb: {  	s13 =	smul.u32 $0x4F, s13;
	s7 =	sadd.s32 s7, s6;
	s6 =	sadd.s32 $0x62600, s0  }
0xc: {  	s15 =	ssub.s32 s31, s11;
	s8 =	sadd.s32 s10, s4;
	s9 =	sshrl.u32 s7, $0x3  }
0xd: {  	s7 =	sadd.s32 $0x6C400, s0;
	s10 =	sadd.s32 $0x8000, s8;
	s11 =	sadd.s32 $0xC000, s8  }
0xe: {  	s12 =	sadd.s32 $0x10000, s8;
	s15 =	smax.u32 s15, $0x1;
	s14 =	sadd.s32 s9, s0  }
0xf: {  	v0 =	vimm.f32 $0.0e+00;
	s22 =	sshrl.u32 s8, $0x3;
	s9 =	sadd.s32 $0x4000, s8;
	s14 =	sadd.s32 $0x76200, s14  }
.LBB2_1:
0x10: {  	s23 =	simm.s32 $0x0;
	s24 =	simm.s32 $0x200  }
.LBB2_2:
0x11: {  	p0 =	sne.s32 s24, $0xFE00;
	[tilespmem:s23+$0x1F0] =	vst v0  }
0x12: {  	[tilespmem:s23+$0x180] =	vst v0  }
0x13: {  	[tilespmem:s23+$0x190] =	vst v0  }
.Ltmp0:
0x14: {  	[tilespmem:s23+$0x1A0] =	vst v0;
	(pc) =	sbr.rel @p0 .LBB2_2-.Ltmp0, $4  }
0x15: {  	[tilespmem:s23+$0x1B0] =	vst v0  }
0x16: {  	[tilespmem:s23+$0x1C0] =	vst v0  }
0x17: {  	[tilespmem:s23+$0x1D0] =	vst v0  }
0x18: {  	[tilespmem:s23+$0x1E0] =	vst v0;
	s23 =	sshra.s32 s24, $0x2;
	s24 =	sadd.s32 $0x200, s24  }
0x19: {  	[tilespmem:s23+$0x1F0] =	vst v0  }
0x1a: {  	[tilespmem:s23+$0x180] =	vst v0  }
0x1b: {  	[tilespmem:s23+$0x190] =	vst v0  }
0x1c: {  	[tilespmem:s23+$0x1A0] =	vst v0  }
0x1d: {  	[tilespmem:s23+$0x1B0] =	vst v0  }
0x1e: {  	[tilespmem:s23+$0x1C0] =	vst v0  }
0x1f: {  	[tilespmem:s23+$0x1D0] =	vst v0  }
0x20: {  	[tilespmem:s23+$0x1E0] =	vst v0  }
0x21: {  	[spmem:s8] =	stream.linear.scatter [tilespmem:s16], [sflag:$0x2], $0x4000, $0x38;
	[tilespmem:$0x18180] =	vst v63  }
0x22: {  	_ =	swait.ge [sflag:s17], $0x4000  }
0x23: {  	[sflag:s17] =	ssyncset.done $0x0  }
0x24: {  	[sflag:s17] =	ssyncadd.s32 $0xFFFFC000  }
0x25: {  	[spmem:s9] =	stream.linear.scatter [tilespmem:s16], [sflag:$0x2], $0x4000, $0x38;
	[tilespmem:$0x18180] =	vst v63  }
0x26: {  	_ =	swait.ge [sflag:s17], $0x4000  }
0x27: {  	[sflag:s17] =	ssyncset.done $0x0  }
0x28: {  	[sflag:s17] =	ssyncadd.s32 $0xFFFFC000  }
0x29: {  	[spmem:s10] =	stream.linear.scatter [tilespmem:s16], [sflag:$0x2], $0x4000, $0x38;
	[tilespmem:$0x18180] =	vst v63  }
0x2a: {  	_ =	swait.ge [sflag:s17], $0x4000  }
0x2b: {  	[sflag:s17] =	ssyncset.done $0x0  }
0x2c: {  	[sflag:s17] =	ssyncadd.s32 $0xFFFFC000  }
0x2d: {  	[spmem:s11] =	stream.linear.scatter [tilespmem:s16], [sflag:$0x2], $0x4000, $0x38;
	[tilespmem:$0x18180] =	vst v63  }
0x2e: {  	_ =	swait.ge [sflag:s17], $0x4000  }
0x2f: {  	[sflag:s17] =	ssyncset.done $0x0  }
0x30: {  	[sflag:s17] =	ssyncadd.s32 $0xFFFFC000  }
0x31: {  	[spmem:s12] =	stream.linear.scatter [tilespmem:s16], [sflag:$0x2], $0x4000, $0x38;
	[tilespmem:$0x18180] =	vst v63  }
0x32: {  	_ =	swait.ge [sflag:s17], $0x4000  }
0x33: {  	[sflag:s17] =	ssyncset.done $0x0  }
0x34: {  	[sflag:s17] =	ssyncadd.s32 $0xFFFFC000  }
0x35: {  	s23 =	simm.s32 $0x0;
	s24 =	simm.s32 $0x0;
	[bflag:$0x0] =	sbarrier.arrive $0xFFFF  }
.LBB2_4:
0x36: {  	s25 =	sadd.s32 s13, s24  }
0x37: {  	s25 =	sshll.u32 s25, $0x4  }
0x38: {  	s26 =	sadd.s32 s3, s25  }
0x39: {  	[tilespmem:s23], [sflag:$0x2] =	stream.linear.gather [hbm4b:s26+s23], $0x80, $0x38;
	[tilespmem:$0x18180] =	vst v63  }
0x3a: {  	_ =	swait.ge [sflag:s17], $0x80  }
0x3b: {  	[sflag:s17] =	ssyncset.done $0x0  }
0x3c: {  	s31 =	sadd.s32 s6, s25;
	[sflag:s17] =	ssyncadd.s32 $0xFFFFFF80  }
0x3d: {  	[tilespmem:s18], [sflag:$0x2] =	stream.linear.gather [hbm4b:s31+s23], $0x80, $0x38;
	[tilespmem:$0x18180] =	vst v63  }
0x3e: {  	_ =	swait.ge [sflag:s17], $0x80  }
0x3f: {  	[sflag:s17] =	ssyncset.done $0x0  }
0x40: {  	s25 =	sadd.s32 s7, s25;
	[sflag:s17] =	ssyncadd.s32 $0xFFFFFF80  }
0x41: {  	[tilespmem:s19], [sflag:$0x2] =	stream.linear.gather [hbm4b:s25+s23], $0x80, $0x38;
	[tilespmem:$0x18180] =	vst v63  }
0x42: {  	_ =	swait.ge [sflag:s17], $0x80  }
0x43: {  	[sflag:s17] =	ssyncset.done $0x0  }
0x44: {  	[sflag:s17] =	ssyncadd.s32 $0xFFFFFF80  }
0x45: {  	[tilespmem:s16], [sflag:$0x1] =	stream.indirect.gather [hbm4b:s0+s18], $0x80, s23, s18, $0xb8;
	[tilespmem:$0x18180] =	vst v63  }
0x46: {  	_ =	swait.ge [sflag:s20], $0x4000  }
0x47: {  	v1 =	vmov s23;
	[sflag:s20] =	ssyncset.done $0x0  }
0x48: {  	s25 =	simm.s32 $0x1C0;
	[sflag:s20] =	ssyncadd.s32 $0xFFFFC000  }
0x49: {  	v5 =	vld [tilespmem:s25+$0x30]  }
0x4a: {  	v8 =	vld [tilespmem:s25+$0x10]  }
0x4b: {  	v6 =	vld [tilespmem:s25+$0xFFFFFFC0]  }
0x4c: {  	v2 =	vld.idx.msk [tilespmem:v1+s19+$0x0], $0xffff  }
0x4d: {  	v10 =	vld [tilespmem:s25+$0xFFFFFFE0]  }
0x4e: {  	v1 =	vld [tilespmem:s25+$0xFFFFFFF0]  }
0x4f: {  	v3 =	vld [tilespmem:s25+$0x20]  }
0x50: {  	v4 =	vld [tilespmem:s25+$0xFFFFFFD0]  }
0x51: {  	v9 =	vmul.f32 v5, v2;
	v5 =	vld [tilespmem:s25+$0x0]  }
0x52: {  	v7 =	vmul.f32 v6, v2  }
0x53: {  	s28 =	simm.s32 $0x1C0;
	s26 =	simm.s32 $0x1;
	v6 =	vmul.f32 v10, v2;
	v8 =	vmul.f32 v8, v2  }
.LBB2_5:
0x54: {  	p0 =	sne.s32 s26, $0x7F  }
0x55: {  	v4 =	vmul.f32 v4, v2;
	v3 =	vmul.f32 v3, v2;
	[tilespmem:s25+$0x30] =	vst v9;
	s28 =	sadd.s32 $0x80, s28;
	s29 =	smov.u32 s26;
	s26 =	sadd.s32 $0x1, s26  }
0x56: {  	[tilespmem:s25+$0xFFFFFFC0] =	vst v7;
	v7 =	vmul.f32 v1, v2;
	v2 =	vmul.f32 v5, v2  }
0x57: {  	[tilespmem:s25+$0x10] =	vst v8  }
0x58: {  	v5 =	vmov s29;
	[tilespmem:s25+$0xFFFFFFE0] =	vst v6  }
0x59: {  	v1 =	vld [tilespmem:s28+$0xFFFFFFF0];
	[tilespmem:s25+$0xFFFFFFF0] =	vst v7  }
0x5a: {  	v6 =	vld [tilespmem:s28+$0x30];
	[tilespmem:s25+$0x0] =	vst v2  }
0x5b: {  	v8 =	vld [tilespmem:s28+$0x10];
	[tilespmem:s25+$0x20] =	vst v3  }
0x5c: {  	v7 =	vld [tilespmem:s28+$0xFFFFFFC0];
	[tilespmem:s25+$0xFFFFFFD0] =	vst v4;
	s25 =	smov.u32 s28  }
0x5d: {  	v2 =	vld.idx.msk [tilespmem:v5+s19+$0x0], $0xffff  }
0x5e: {  	v10 =	vld [tilespmem:s28+$0xFFFFFFE0]  }
0x5f: {  	v3 =	vld [tilespmem:s28+$0x20]  }
.Ltmp1:
0x60: {  	v4 =	vld [tilespmem:s28+$0xFFFFFFD0];
	(pc) =	sbr.rel @p0 .LBB2_5-.Ltmp1, $3  }
0x61: {  	v5 =	vld [tilespmem:s28+$0x0];
	_ =	sdelay $0x1  }
0x62: {  	v7 =	vmul.f32 v7, v2;
	v9 =	vmul.f32 v6, v2  }
0x63: {  	v8 =	vmul.f32 v8, v2;
	v6 =	vmul.f32 v10, v2  }
0x64: {  	[tilespmem:s25+$0x30] =	vst v9  }
0x65: {  	[tilespmem:s25+$0xFFFFFFC0] =	vst v7  }
0x66: {  	v1 =	vmul.f32 v1, v2;
	[tilespmem:s25+$0x10] =	vst v8  }
0x67: {  	v3 =	vmul.f32 v3, v2;
	[tilespmem:s25+$0xFFFFFFE0] =	vst v6  }
0x68: {  	v5 =	vmul.f32 v5, v2;
	[tilespmem:s25+$0xFFFFFFF0] =	vst v1  }
0x69: {  	s24 =	sadd.s32 $0x1, s24;
	v1 =	vmul.f32 v4, v2;
	[tilespmem:s25+$0x20] =	vst v3  }
0x6a: {  	p0 =	sne.s32 s24, $0x4F;
	[tilespmem:s25+$0x0] =	vst v5  }
.Ltmp2:
0x6b: {  	[tilespmem:s25+$0xFFFFFFD0] =	vst v1;
	(pc) =	sbr.rel @p0 .LBB2_4-.Ltmp2, $4  }
0x6c: {  	[spmem:s4] =	stream.indirect.scatter.add.f32 [tilespmem:s16], [sflag:$0x2], $0x80, s18, s18, $0xb8;
	[tilespmem:$0x18180] =	vst v63  }
0x6d: {  	_ =	swait.ge [sflag:s17], $0x4000  }
0x6e: {  	[sflag:s17] =	ssyncset.done $0x0  }
0x6f: {  	[sflag:s17] =	ssyncadd.s32 $0xFFFFC000  }
0x70: {  	s5 =	sadd.s32 $0x1, s5  }
0x71: {  	p0 =	sne.s32 s5, s15  }
.Ltmp3:
0x72: {  	[bflag:$0x0] =	sbarrier.arrive $0xFFFF;
	(pc) =	sbr.rel @p0 .LBB2_1-.Ltmp3, $4  }
0x73: {  	[hbm:s14], [sflag:s21] =	dma.local [spmem:s22], $0x2800  }
0x74: {  	_ =	swait.ge [sflag:s17], $0x2800  }
0x75: {  	[sflag:s17] =	ssyncset.done $0x0  }
0x76: {  	[sflag:s17] =	ssyncadd.s32 $0xFFFFD800  }
0x77: {  	_ =	sfence.sel $0x180000  }
0x78: {  	[bflag:$0x0] =	sbarrier.arrive $0xFFFF  }
0x79: {  	p0 =	sne.s32 s2, $0x0;
	_ =	strace $0x9000004A  }
0x7a: {  	s0 =	sadd.s32 @!p0 $0x100000, s1;
	[bflag:$0x2] =	sbarrier.arrive $0xFFFF  }
0x7b: {  	[sflag:s0] =	ssyncadd.tile.s32 @!p0 $0x1;
	_ =	shalt  }
.Lfunc_end2:
_tile_overlayer_lowered:
.L_overlay_start_2:
0x7c: {  	(tag) =	ssettag $0x2  }
0x7d: {  	s0 =	rddreg [dreg:$0x0];
	s2 =	stileid.u32  }
0x7e: {  	s1 =	rddreg [dreg:$0x1];
	p0 =	sne.s32 s2, $0x0  }
0x7f: {  	s3 =	rddreg [dreg:$0x2];
	[bflag:$0x3] =	sbarrier.arrive $0xFFFF;
	s2 =	simm.s32 @!p0 $0x1C02  }
0x80: {  	[timem:s3], [sflag:s2] =	dma.local @!p0 [hbm:s0], s1  }
0x81: {  	s0 =	simm.s32 @!p0 $0x2  }
0x82: {  	_ =	swait.ge @!p0 [sflag:s0], s1  }
0x83: {  	s1 =	ssub.s32 @!p0 $0x0, s1;
	[sflag:s0] =	ssyncset.done @!p0 $0x0  }
0x84: {  	[sflag:s0] =	ssyncadd.s32 @!p0 s1  }
0x85: {  	[bflag:$0x3] =	sbarrier.arrive $0xFFFF  }
0x86: {  	_ =	shalt  }

// kernel: kernel.14.cloned.1.call-start
scs
__scs_entry_jumppad:
0x0: {  	(pc) =	sbr.rel $0x88, $3  }
0x1: {  	(tag) =	ssettag $0x0;
	lr =	simm.s32 $0x1  }
0x2: {  	[smem:$0x3F99] =	sst lr;
	_ =	strace $0xD0000000  }
0x3: {  	_ = 	snop  }
0x4: {  	_ = 	snop  }
0x5: {  	_ = 	snop  }
0x6: {  	_ = 	snop  }
0x7: {  	_ = 	snop  }
__scs_overlays_trampoline_lowered:
0x8: {  	[smem:$0x3FA8] =	sst s0  }
0x9: {  	[smem:$0x3FA9] =	sst s1  }
0xa: {  	[smem:$0x3FAA] =	sst s2  }
0xb: {  	[smem:$0x3FAB] =	sst s3  }
0xc: {  	[smem:$0x3FAC] =	sst s4  }
0xd: {  	[smem:$0x3FAD] =	sst s5  }
0xe: {  	[smem:$0x3FAE] =	sst s6  }
0xf: {  	[smem:$0x3FAF] =	sst s7  }
0x10: {  	[smem:$0x3FB0] =	sst s8  }
0x11: {  	[smem:$0x3FB1] =	sst s9;
	s0 =	simm.s32 @!p0 $0x0  }
0x12: {  	s1 =	sld [smem:$0x3F97];
	s0 =	simm.s32 @p0 $0x1  }
0x13: {  	[smem:$0x3FB2] =	sst s0;
	s0 =	simm.s32 @!p1 $0x0  }
0x14: {  	s2 =	sld [smem:$0x3F96];
	s0 =	simm.s32 @p1 $0x1  }
0x15: {  	[smem:$0x3FB3] =	sst s0;
	s0 =	simm.s32 @!p2 $0x0  }
0x16: {  	s3 =	sld [smem:$0x3FDB];
	s0 =	simm.s32 @p2 $0x1  }
0x17: {  	s4 =	simm.s32 $0x1BF5;
	[smem:$0x3FB5] =	sst s0  }
0x18: {  	s0 =	sld [smem:$0x3F98];
	_ =	swait.ge [sflag:s4], $0x0  }
0x19: {  	s7 =	sld [smem:$0x3F99]  }
0x1a: {  	s8 =	sadd.s32 $0xFFFFE003, lr  }
0x1b: {  	s9 =	sadd.s32 $0xFFFFFEF7, lr;
	s5 =	simm.s32 $0xFFFFFFFF;
	p2 =	slt.u32 s8, $0xFFFFF086  }
0x1c: {  	p1 =	slt.u32 s9, $0xF7A;
	s5 =	simm.s32 @!p2 $0x0  }
0x1d: {  	s5 =	simm.s32 @p1 $0x1;
	p0 =	seq.s32 s7, s2  }
0x1e: {  	s7 =	smul.u32 @!p0 $0xF7A, s2;
	p2 =	seq.s32 @!p0 s5, $0x0  }
0x1f: {  	s9 =	smul.u32 $0xF7A, s1;
	s8 =	simm.s32 @!p0 $0x1BF5;
	p2 =	por !p2, p0  }
0x20: {  	[sflag:s8] =	ssyncset.s32 @!p0 $0xFFFFF086;
	s6 =	sadd.s32 @!p0 s3, s7;
	s7 =	simm.s32 @!p0 $0x108  }
0x21: {  	s3 =	sadd.s32 s3, s9;
	s6 =	sadd.s32 @!p0 $0x88, s6;
	s7 =	simm.s32 @p2 $0x1082  }
0x22: {  	[simem:s7], [sflag:s8] =	dma.local @!p0 [hbm:s6], $0xF7A  }
0x23: {  	s9 =	sor.u32 $0xD0000000, s2;
	s6 =	simm.s32 $0x108;
	_ =	swait.ge @!p0 [sflag:s8], $0x0  }
0x24: {  	s3 =	sadd.s32 $0x88, s3;
	s6 =	simm.s32 @!p1 $0x1082;
	[sflag:s4] =	ssyncset.s32 $0xFFFFF086  }
0x25: {  	[simem:s6], [sflag:s4] =	dma.local [hbm:s3], $0xF7A  }
0x26: {  	[smem:$0x3F99] =	sst s1;
	(tag) =	ssettag s2;
	_ =	strace s9  }
0x27: {  	s1 =	sld [smem:$0x3FA9]  }
0x28: {  	s2 =	sld [smem:$0x3FAA]  }
0x29: {  	s4 =	sld [smem:$0x3FAC]  }
0x2a: {  	p0 =	seq.s32 s5, $0x0;
	s5 =	sld [smem:$0x3FAD]  }
0x2b: {  	s6 =	sld [smem:$0x3FAE]  }
0x2c: {  	s7 =	sld [smem:$0x3FAF]  }
0x2d: {  	s3 =	simm.s32 $0x108;
	s8 =	sld [smem:$0x3FB0]  }
0x2e: {  	s3 =	simm.s32 @!p0 $0x1082;
	s9 =	sld [smem:$0x3FB1]  }
0x2f: {  	lr =	sadd.s32 s0, s3;
	s0 =	sld [smem:$0x3FA8]  }
0x30: {  	s3 =	sld [smem:$0x3FAB]  }
0x31: {  	[smem:$0x3FB4] =	sst s10  }
0x32: {  	s10 =	sld [smem:$0x3FB2];
	_ =	sdelay $0x3  }
0x33: {  	p0 =	seq.s32 s10, $0x1;
	s10 =	sld [smem:$0x3FB4];
	_ =	sdelay $0x3  }
0x34: {  	[smem:$0x3FB4] =	sst s10  }
0x35: {  	s10 =	sld [smem:$0x3FB3];
	_ =	sdelay $0x3  }
0x36: {  	p1 =	seq.s32 s10, $0x1;
	s10 =	sld [smem:$0x3FB4];
	_ =	sdelay $0x3  }
0x37: {  	[smem:$0x3FB4] =	sst s10  }
0x38: {  	s10 =	sld [smem:$0x3FB5]  }
0x39: {  	_ = 	snop;
	(pc) =	sbr.ind lr, $3  }
0x3a: {  	_ = 	snop  }
0x3b: {  	_ = 	snop  }
0x3c: {  	p2 =	seq.s32 s10, $0x1;
	s10 =	sld [smem:$0x3FB4]  }
0x3d: {  	_ =	shalt  }
0x3e: {  	_ =	shalt  }
0x3f: {  	_ =	shalt  }
0x40: {  	_ =	shalt  }
0x41: {  	_ =	shalt  }
0x42: {  	_ =	shalt  }
0x43: {  	_ =	shalt  }
0x44: {  	_ =	shalt  }
0x45: {  	_ =	shalt  }
0x46: {  	_ =	shalt  }
0x47: {  	_ =	shalt  }
0x48: {  	_ =	shalt  }
0x49: {  	_ =	shalt  }
0x4a: {  	_ =	shalt  }
0x4b: {  	_ =	shalt  }
0x4c: {  	_ =	shalt  }
0x4d: {  	_ =	shalt  }
0x4e: {  	_ =	shalt  }
0x4f: {  	_ =	shalt  }
0x50: {  	_ =	shalt  }
0x51: {  	_ =	shalt  }
0x52: {  	_ =	shalt  }
0x53: {  	_ =	shalt  }
0x54: {  	_ =	shalt  }
0x55: {  	_ =	shalt  }
0x56: {  	_ =	shalt  }
0x57: {  	_ =	shalt  }
0x58: {  	_ =	shalt  }
0x59: {  	_ =	shalt  }
0x5a: {  	_ =	shalt  }
0x5b: {  	_ =	shalt  }
0x5c: {  	_ =	shalt  }
0x5d: {  	_ =	shalt  }
0x5e: {  	_ =	shalt  }
0x5f: {  	_ =	shalt  }
0x60: {  	_ =	shalt  }
0x61: {  	_ =	shalt  }
0x62: {  	_ =	shalt  }
0x63: {  	_ =	shalt  }
0x64: {  	_ =	shalt  }
0x65: {  	_ =	shalt  }
0x66: {  	_ =	shalt  }
0x67: {  	_ =	shalt  }
0x68: {  	_ =	shalt  }
0x69: {  	_ =	shalt  }
0x6a: {  	_ =	shalt  }
0x6b: {  	_ =	shalt  }
0x6c: {  	_ =	shalt  }
0x6d: {  	_ =	shalt  }
0x6e: {  	_ =	shalt  }
0x6f: {  	_ =	shalt  }
0x70: {  	_ =	shalt  }
0x71: {  	_ =	shalt  }
0x72: {  	_ =	shalt  }
0x73: {  	_ =	shalt  }
0x74: {  	_ =	shalt  }
0x75: {  	_ =	shalt  }
0x76: {  	_ =	shalt  }
0x77: {  	_ =	shalt  }
0x78: {  	_ =	shalt  }
0x79: {  	_ =	shalt  }
0x7a: {  	_ =	shalt  }
0x7b: {  	_ =	shalt  }
0x7c: {  	_ =	shalt  }
0x7d: {  	_ =	shalt  }
0x7e: {  	_ =	shalt  }
0x7f: {  	_ =	shalt  }
0x80: {  	_ =	shalt  }
0x81: {  	_ =	shalt  }
0x82: {  	_ =	shalt  }
0x83: {  	_ =	shalt  }
0x84: {  	_ =	shalt  }
0x85: {  	_ =	shalt  }
0x86: {  	_ =	shalt  }
0x87: {  	_ =	shalt  }
.Lfunc_end0:
.L_simem_size_0:
called_computation.2_lowered:
.L_overlay_start_0:
0x88: {  	s2 =	sld [smem:$0x3FD9]  }
0x89: {  	s3 =	sld [smem:$0x3FFE];
	_ =	sdelay $0x1  }
0x8a: {  	s1 =	srdreg.scid  }
0x8b: {  	s0 =	sand.u32 $0x1, s1  }
0x8c: {  	s16 =	sshll.u32 s0, $0xA;
	s2 =	sadd.s32 s3, s2  }
0x8d: {  	s2 =	sadd.s32 s2, s16  }
0x8e: {  	[smem:$0x3FC0] =	sst s2  }
0x8f: {  	_ = 	snop  }
0x90: {  	(tm) =	ssettm $0x1  }
0x91: {  	s17 =	sld [smem:$0x3FFB];
	_ =	sdelay $0x3  }
0x92: {  	_ =	strace s17  }
0x93: {  	s2 =	sld [smem:$0x3FFC];
	_ =	sdelay $0x3  }
0x94: {  	_ =	strace s2  }
0x95: {  	s2 =	sld [smem:$0x3FFD];
	_ =	sdelay $0x3  }
0x96: {  	_ =	strace s2  }
0x97: {  	_ =	strace $0x8FFFFFFF  }
0x98: {  	s18 =	sld [smem:$0x3FDB];
	_ =	sdelay $0x1  }
0x99: {  	s19 =	simm.s32 $_scs_section_size  }
0x9a: {  	s4 =	simm.s32 $_size__tile_overlayer_lowered;
	s5 =	simm.s32 $_tile_overlayer_lowered  }
0x9b: {  	s22 =	simm.s32 $0x1BFF;
	s21 =	sshll.u32 s5, $0x1;
	s2 =	sadd.s32 s19, s18  }
0x9c: {  	s6 =	simm.s32 $0x0;
	s20 =	sshll.u32 s4, $0x1;
	s4 =	sadd.s32 s21, s2  }
0x9d: {  	[timem:s6], [sflag:s22] =	dma.local [hbm:s4], s20  }
0x9e: {  	_ =	swait.ge [sflag:s22], s20  }
0x9f: {  	s3 =	ssub.s32 $0x0, s20;
	[sflag:s22] =	ssyncset.done $0x0  }
0xa0: {  	[sflag:s22] =	ssyncadd.s32 s3;
	_ =	sdelay $0x1  }
0xa1: {  	s23 =	simm.s32 $0x1B8B  }
0xa2: {  	_ =	swait.ge [sflag:s23], $0x1  }
0xa3: {  	[sflag:s23] =	ssyncset.done $0x0  }
0xa4: {  	s25 =	simm.s32 $0x1B8E;
	s24 =	sld [smem:$0x3FFE];
	[sflag:s23] =	ssyncadd.s32 $0xFFFFFFFF  }
0xa5: {  	s26 =	simm.s32 $execute0_lowered;
	[smem:$0x3FD2] =	sst s25  }
0xa6: {  	s4 =	sshll.u32 s26, $0x1;
	_ =	strace $0x8000004C;
	[dreg:$0x1] =	wrdreg $0xFFFFFFFF  }
0xa7: {  	s28 =	simm.s32 $_size_execute0_lowered;
	s2 =	sadd.s32 s2, s4;
	[dreg:$0x0] =	wrdreg $0x0  }
0xa8: {  	s4 =	sshll.u32 s28, $0x1;
	[dreg:$0x2] =	wrdreg s2  }
0xa9: {  	[dreg:$0x3] =	wrdreg s4  }
0xaa: {  	[dreg:$0x4] =	wrdreg $0xC0  }
0xab: {  	_ =	task [dreg:s6], $0x5FFFF  }
0xac: {  	[dreg:$0x1] =	wrdreg $0xFFFFFFFF  }
0xad: {  	[dreg:$0x0] =	wrdreg $0x60  }
0xae: {  	[dreg:$0x2] =	wrdreg s24  }
0xaf: {  	[dreg:$0x3] =	wrdreg $0x41800  }
0xb0: {  	[dreg:$0x4] =	wrdreg $0x9  }
0xb1: {  	_ =	task.clear_ibuf [dreg:s6], $0x5FFFF;
	_ =	strace $0x9000004C  }
0xb2: {  	s29 =	simm.s32 $0x9;
	_ =	strace $0x8000004E  }
0xb3: {  	_ =	swait.ge [sflag:s29], $0x1  }
0xb4: {  	[sflag:s29] =	ssyncadd.s32 $0xFFFFFFFF  }
0xb5: {  	_ =	strace $0x9000004E  }
0xb6: {  	_ =	sfence  }
0xb7: {  	s30 =	sld [smem:$0x0];
	_ =	sdelay $0x2  }
0xb8: {  	s31 =	sshll.u32 s1, $0xD;
	s1 =	sshrl.u32 s1, $0x2  }
0xb9: {  	s3 =	sand.u32 $0x4000, s31;
	s1 =	sadd.s32 s1, s30  }
0xba: {  	s0 =	sor.u32 s3, s0;
	s1 =	sshll.u32 s1, $0x11  }
0xbb: {  	s0 =	sor.u32 s1, s0  }
0xbc: {  	s0 =	sadd.s32 $0x8F2B, s0  }
0xbd: {  	[sflag:s0] =	ssyncadd.remote.s32 $0x1  }
0xbe: {  	_ =	sfence.sel $0xFFFF  }
0xbf: {  	[dreg:$0x0] =	wrdreg $0xFFFFFFFF;
	(pc) =	sbr.abs _section_cstart, $3  }
0xc0: {  	[dreg:$0x1] =	wrdreg $0xFFFFFFFF  }
0xc1: {  	_ =	task.clear_ibuf [dreg:s6], $0x2FFFF;
	_ =	strace $0x9FFFFFFF  }
0xc2: {  	(tm) =	ssettm $0x7FFFFFFF  }
0xc3: {  	_ =	shalt  }
tec
execute0_lowered:
.L_overlay_start_1:
0x0: {  	(tag) =	ssettag $0x1  }
0x1: {  	s1 =	rddreg [dreg:$0x0]  }
0x2: {  	s2 =	rddreg [dreg:$0x1]  }
0x3: {  	s3 =	srdreg.scid;
	s0 =	rddreg [dreg:$0x2];
	s4 =	simm.s32 $0x0  }
0x4: {  	s17 =	simm.s32 $0x180;
	s18 =	simm.s32 $0x2;
	s19 =	simm.s32 $0x18180  }
0x5: {  	s20 =	simm.s32 $0x80;
	s21 =	simm.s32 $0x100;
	s9 =	sand.u32 $0x1, s3  }
0x6: {  	s22 =	simm.s32 $0x1;
	s3 =	stileid.u32;
	s7 =	smul.u32 $0x140000, s9  }
0x7: {  	[smem:$0x7FF] =	sst s4;
	s5 =	sadd.s32 $0x28000, s1;
	s8 =	smul.u32 $0x14000, s3  }
0x8: {  	s6 =	sadd.s32 $0x31E00, s1;
	_ =	strace $0x8000004D;
	s11 =	smul.u32 $0x50000, s3  }
0x9: {  	s31 =	ssub.s32 $0x2, s9;
	s13 =	sshll.u32 s3, $0x1;
	s23 =	sshll.u32 s3, $0x6  }
0xa: {  	s12 =	sshrl.u32 s31, $0x1;
	s14 =	sor.u32 s9, s13;
	s23 =	sor.u32 $0x1C02, s23  }
0xb: {  	s8 =	sadd.s32 s8, s7;
	s7 =	sadd.s32 $0x3BC00, s1;
	s11 =	sshrl.u32 s11, $0x2  }
0xc: {  	s16 =	ssub.s32 s31, s12;
	s14 =	smul.u32 $0x4F, s14;
	s10 =	sshrl.u32 s8, $0x3  }
0xd: {  	s8 =	sadd.s32 $0x45A00, s1;
	s9 =	sadd.s32 s11, s2;
	s16 =	smax.u32 s16, $0x1  }
0xe: {  	s15 =	sadd.s32 s10, s1;
	s10 =	sadd.s32 $0x4000, s9;
	s11 =	sadd.s32 $0x8000, s9  }
0xf: {  	v0 =	vimm.f32 $0.0e+00;
	s12 =	sadd.s32 $0xC000, s9;
	s13 =	sadd.s32 $0x10000, s9;
	s15 =	sadd.s32 $0x46000, s15  }
.LBB2_1:
0x10: {  	s24 =	simm.s32 $0x0;
	s25 =	simm.s32 $0x200  }
.LBB2_2:
0x11: {  	p0 =	sne.s32 s25, $0xFE00;
	[tilespmem:s24+$0x1F0] =	vst v0  }
0x12: {  	[tilespmem:s24+$0x180] =	vst v0  }
0x13: {  	[tilespmem:s24+$0x190] =	vst v0  }
.Ltmp0:
0x14: {  	[tilespmem:s24+$0x1A0] =	vst v0;
	(pc) =	sbr.rel @p0 .LBB2_2-.Ltmp0, $4  }
0x15: {  	[tilespmem:s24+$0x1B0] =	vst v0  }
0x16: {  	[tilespmem:s24+$0x1C0] =	vst v0  }
0x17: {  	[tilespmem:s24+$0x1D0] =	vst v0  }
0x18: {  	[tilespmem:s24+$0x1E0] =	vst v0;
	s24 =	sshra.s32 s25, $0x2;
	s25 =	sadd.s32 $0x200, s25  }
0x19: {  	[tilespmem:s24+$0x1F0] =	vst v0  }
0x1a: {  	[tilespmem:s24+$0x180] =	vst v0  }
0x1b: {  	[tilespmem:s24+$0x190] =	vst v0  }
0x1c: {  	[tilespmem:s24+$0x1A0] =	vst v0  }
0x1d: {  	[tilespmem:s24+$0x1B0] =	vst v0  }
0x1e: {  	[tilespmem:s24+$0x1C0] =	vst v0  }
0x1f: {  	[tilespmem:s24+$0x1D0] =	vst v0  }
0x20: {  	[tilespmem:s24+$0x1E0] =	vst v0  }
0x21: {  	[spmem:s9] =	stream.linear.scatter [tilespmem:s17], [sflag:$0x2], $0x4000, $0x38;
	[tilespmem:$0x1A980] =	vst v63  }
0x22: {  	_ =	swait.ge [sflag:s18], $0x4000  }
0x23: {  	[sflag:s18] =	ssyncset.done $0x0  }
0x24: {  	[sflag:s18] =	ssyncadd.s32 $0xFFFFC000  }
0x25: {  	[spmem:s10] =	stream.linear.scatter [tilespmem:s17], [sflag:$0x2], $0x4000, $0x38;
	[tilespmem:$0x1A980] =	vst v63  }
0x26: {  	_ =	swait.ge [sflag:s18], $0x4000  }
0x27: {  	[sflag:s18] =	ssyncset.done $0x0  }
0x28: {  	[sflag:s18] =	ssyncadd.s32 $0xFFFFC000  }
0x29: {  	[spmem:s11] =	stream.linear.scatter [tilespmem:s17], [sflag:$0x2], $0x4000, $0x38;
	[tilespmem:$0x1A980] =	vst v63  }
0x2a: {  	_ =	swait.ge [sflag:s18], $0x4000  }
0x2b: {  	[sflag:s18] =	ssyncset.done $0x0  }
0x2c: {  	[sflag:s18] =	ssyncadd.s32 $0xFFFFC000  }
0x2d: {  	[spmem:s12] =	stream.linear.scatter [tilespmem:s17], [sflag:$0x2], $0x4000, $0x38;
	[tilespmem:$0x1A980] =	vst v63  }
0x2e: {  	_ =	swait.ge [sflag:s18], $0x4000  }
0x2f: {  	[sflag:s18] =	ssyncset.done $0x0  }
0x30: {  	[sflag:s18] =	ssyncadd.s32 $0xFFFFC000  }
0x31: {  	[spmem:s13] =	stream.linear.scatter [tilespmem:s17], [sflag:$0x2], $0x4000, $0x38;
	[tilespmem:$0x1A980] =	vst v63  }
0x32: {  	_ =	swait.ge [sflag:s18], $0x4000  }
0x33: {  	[sflag:s18] =	ssyncset.done $0x0  }
0x34: {  	s24 =	simm.s32 $0x0;
	[sflag:s18] =	ssyncadd.s32 $0xFFFFC000  }
0x35: {  	[tilespmem:s19], [sflag:$0x2] =	stream.linear.gather [hbm4b:s8+s24], $0x2800, $0x38;
	[tilespmem:$0x1A980] =	vst v63  }
0x36: {  	_ =	swait.ge [sflag:s18], $0x2800  }
0x37: {  	[sflag:s18] =	ssyncset.done $0x0  }
0x38: {  	[sflag:s18] =	ssyncadd.s32 $0xFFFFD800  }
0x39: {  	s25 =	simm.s32 $0x0;
	[bflag:$0x0] =	sbarrier.arrive $0xFFFF  }
.LBB2_4:
0x3a: {  	s26 =	sadd.s32 s14, s25  }
0x3b: {  	s26 =	sshll.u32 s26, $0x4  }
0x3c: {  	s28 =	sadd.s32 s5, s26  }
0x3d: {  	[tilespmem:s24], [sflag:$0x2] =	stream.linear.gather [hbm4b:s28+s24], $0x80, $0x38;
	[tilespmem:$0x1A980] =	vst v63  }
0x3e: {  	_ =	swait.ge [sflag:s18], $0x80  }
0x3f: {  	[sflag:s18] =	ssyncset.done $0x0  }
0x40: {  	s28 =	sadd.s32 s6, s26;
	[sflag:s18] =	ssyncadd.s32 $0xFFFFFF80  }
0x41: {  	[tilespmem:s20], [sflag:$0x2] =	stream.linear.gather [hbm4b:s28+s24], $0x80, $0x38;
	[tilespmem:$0x1A980] =	vst v63  }
0x42: {  	_ =	swait.ge [sflag:s18], $0x80  }
0x43: {  	[sflag:s18] =	ssyncset.done $0x0  }
0x44: {  	s26 =	sadd.s32 s7, s26;
	[sflag:s18] =	ssyncadd.s32 $0xFFFFFF80  }
0x45: {  	[tilespmem:s21], [sflag:$0x2] =	stream.linear.gather [hbm4b:s26+s24], $0x80, $0x38;
	[tilespmem:$0x1A980] =	vst v63  }
0x46: {  	_ =	swait.ge [sflag:s18], $0x80  }
0x47: {  	[sflag:s18] =	ssyncset.done $0x0  }
0x48: {  	[sflag:s18] =	ssyncadd.s32 $0xFFFFFF80  }
0x49: {  	v1 =	vld [tilespmem:$0x0];
	_ =	sdelay $0x5  }
0x4a: {  	v2 =	vld [tilespmem:$0x100]  }
0x4b: {  	v3 =	vld [tilespmem:$0x10]  }
0x4c: {  	v1 =	vld.idx.msk [tilespmem:v1+s19+$0x0], $0xffff;
	_ =	sdelay $0x4  }
0x4d: {  	v1 =	vmul.f32 v1, v2;
	_ =	sdelay $0x1  }
0x4e: {  	[tilespmem:$0x100] =	vst v1;
	v1 =	vld [tilespmem:$0x110]  }
0x4f: {  	v2 =	vld.idx.msk [tilespmem:v3+s19+$0x0], $0xffff  }
0x50: {  	v3 =	vld [tilespmem:$0x20];
	_ =	sdelay $0x4  }
0x51: {  	v1 =	vmul.f32 v2, v1;
	_ =	sdelay $0x1  }
0x52: {  	[tilespmem:$0x110] =	vst v1;
	v1 =	vld [tilespmem:$0x120]  }
0x53: {  	v2 =	vld.idx.msk [tilespmem:v3+s19+$0x0], $0xffff  }
0x54: {  	v3 =	vld [tilespmem:$0x30];
	_ =	sdelay $0x4  }
0x55: {  	v1 =	vmul.f32 v2, v1;
	_ =	sdelay $0x1  }
0x56: {  	[tilespmem:$0x120] =	vst v1;
	v1 =	vld [tilespmem:$0x130]  }
0x57: {  	v2 =	vld.idx.msk [tilespmem:v3+s19+$0x0], $0xffff  }
0x58: {  	v3 =	vld [tilespmem:$0x40];
	_ =	sdelay $0x4  }
0x59: {  	v1 =	vmul.f32 v2, v1;
	_ =	sdelay $0x1  }
0x5a: {  	[tilespmem:$0x130] =	vst v1;
	v1 =	vld [tilespmem:$0x140]  }
0x5b: {  	v2 =	vld.idx.msk [tilespmem:v3+s19+$0x0], $0xffff  }
0x5c: {  	v3 =	vld [tilespmem:$0x50];
	_ =	sdelay $0x4  }
0x5d: {  	v1 =	vmul.f32 v2, v1;
	_ =	sdelay $0x1  }
0x5e: {  	[tilespmem:$0x140] =	vst v1;
	v1 =	vld [tilespmem:$0x150]  }
0x5f: {  	v2 =	vld.idx.msk [tilespmem:v3+s19+$0x0], $0xffff  }
0x60: {  	v3 =	vld [tilespmem:$0x60];
	_ =	sdelay $0x4  }
0x61: {  	v1 =	vmul.f32 v2, v1;
	_ =	sdelay $0x1  }
0x62: {  	[tilespmem:$0x150] =	vst v1;
	v1 =	vld [tilespmem:$0x160]  }
0x63: {  	v2 =	vld.idx.msk [tilespmem:v3+s19+$0x0], $0xffff  }
0x64: {  	v3 =	vld [tilespmem:$0x70];
	_ =	sdelay $0x4  }
0x65: {  	v1 =	vmul.f32 v2, v1;
	_ =	sdelay $0x1  }
0x66: {  	[tilespmem:$0x160] =	vst v1;
	v1 =	vld [tilespmem:$0x170]  }
0x67: {  	v2 =	vld.idx.msk [tilespmem:v3+s19+$0x0], $0xffff;
	_ =	sdelay $0x4  }
0x68: {  	v1 =	vmul.f32 v2, v1;
	_ =	sdelay $0x1  }
0x69: {  	[tilespmem:$0x170] =	vst v1  }
0x6a: {  	[tilespmem:s17], [sflag:$0x1] =	stream.indirect.gather [hbm4b:s1+s20], $0x80, s24, s20, $0xb8;
	[tilespmem:$0x1A980] =	vst v63  }
0x6b: {  	_ =	swait.ge [sflag:s22], $0x4000  }
0x6c: {  	v1 =	vmov s24;
	[sflag:s22] =	ssyncset.done $0x0  }
0x6d: {  	s26 =	simm.s32 $0x1C0;
	[sflag:s22] =	ssyncadd.s32 $0xFFFFC000  }
0x6e: {  	v5 =	vld [tilespmem:s26+$0x30]  }
0x6f: {  	v8 =	vld [tilespmem:s26+$0x10]  }
0x70: {  	v6 =	vld [tilespmem:s26+$0xFFFFFFC0]  }
0x71: {  	v2 =	vld.idx.msk [tilespmem:v1+s21+$0x0], $0xffff  }
0x72: {  	v10 =	vld [tilespmem:s26+$0xFFFFFFE0]  }
0x73: {  	v1 =	vld [tilespmem:s26+$0xFFFFFFF0]  }
0x74: {  	v3 =	vld [tilespmem:s26+$0x20]  }
0x75: {  	v4 =	vld [tilespmem:s26+$0xFFFFFFD0]  }
0x76: {  	v9 =	vmul.f32 v5, v2;
	v5 =	vld [tilespmem:s26+$0x0]  }
0x77: {  	v7 =	vmul.f32 v6, v2  }
0x78: {  	s29 =	simm.s32 $0x1C0;
	s28 =	simm.s32 $0x1;
	v6 =	vmul.f32 v10, v2;
	v8 =	vmul.f32 v8, v2  }
.LBB2_5:
0x79: {  	p0 =	sne.s32 s28, $0x7F  }
0x7a: {  	v4 =	vmul.f32 v4, v2;
	v3 =	vmul.f32 v3, v2;
	[tilespmem:s26+$0x30] =	vst v9;
	s29 =	sadd.s32 $0x80, s29;
	s30 =	smov.u32 s28;
	s28 =	sadd.s32 $0x1, s28  }
0x7b: {  	[tilespmem:s26+$0xFFFFFFC0] =	vst v7;
	v7 =	vmul.f32 v1, v2;
	v2 =	vmul.f32 v5, v2  }
0x7c: {  	[tilespmem:s26+$0x10] =	vst v8  }
0x7d: {  	v5 =	vmov s30;
	[tilespmem:s26+$0xFFFFFFE0] =	vst v6  }
0x7e: {  	v1 =	vld [tilespmem:s29+$0xFFFFFFF0];
	[tilespmem:s26+$0xFFFFFFF0] =	vst v7  }
0x7f: {  	v6 =	vld [tilespmem:s29+$0x30];
	[tilespmem:s26+$0x0] =	vst v2  }
0x80: {  	v8 =	vld [tilespmem:s29+$0x10];
	[tilespmem:s26+$0x20] =	vst v3  }
0x81: {  	v7 =	vld [tilespmem:s29+$0xFFFFFFC0];
	[tilespmem:s26+$0xFFFFFFD0] =	vst v4;
	s26 =	smov.u32 s29  }
0x82: {  	v2 =	vld.idx.msk [tilespmem:v5+s21+$0x0], $0xffff  }
0x83: {  	v10 =	vld [tilespmem:s29+$0xFFFFFFE0]  }
0x84: {  	v3 =	vld [tilespmem:s29+$0x20]  }
.Ltmp1:
0x85: {  	v4 =	vld [tilespmem:s29+$0xFFFFFFD0];
	(pc) =	sbr.rel @p0 .LBB2_5-.Ltmp1, $3  }
0x86: {  	v5 =	vld [tilespmem:s29+$0x0];
	_ =	sdelay $0x1  }
0x87: {  	v7 =	vmul.f32 v7, v2;
	v9 =	vmul.f32 v6, v2  }
0x88: {  	v8 =	vmul.f32 v8, v2;
	v6 =	vmul.f32 v10, v2  }
0x89: {  	[tilespmem:s26+$0x30] =	vst v9  }
0x8a: {  	[tilespmem:s26+$0xFFFFFFC0] =	vst v7  }
0x8b: {  	v1 =	vmul.f32 v1, v2;
	[tilespmem:s26+$0x10] =	vst v8  }
0x8c: {  	v3 =	vmul.f32 v3, v2;
	[tilespmem:s26+$0xFFFFFFE0] =	vst v6  }
0x8d: {  	v5 =	vmul.f32 v5, v2;
	[tilespmem:s26+$0xFFFFFFF0] =	vst v1  }
0x8e: {  	s25 =	sadd.s32 $0x1, s25;
	v1 =	vmul.f32 v4, v2;
	[tilespmem:s26+$0x20] =	vst v3  }
0x8f: {  	p0 =	sne.s32 s25, $0x4F;
	[tilespmem:s26+$0x0] =	vst v5  }
.Ltmp2:
0x90: {  	[tilespmem:s26+$0xFFFFFFD0] =	vst v1;
	(pc) =	sbr.rel @p0 .LBB2_4-.Ltmp2, $4  }
0x91: {  	[spmem:s2] =	stream.indirect.scatter.add.f32 [tilespmem:s17], [sflag:$0x2], $0x80, s20, s20, $0xb8;
	[tilespmem:$0x1A980] =	vst v63  }
0x92: {  	_ =	swait.ge [sflag:s18], $0x4000  }
0x93: {  	[sflag:s18] =	ssyncset.done $0x0  }
0x94: {  	[sflag:s18] =	ssyncadd.s32 $0xFFFFC000  }
0x95: {  	s4 =	sadd.s32 $0x1, s4  }
0x96: {  	p0 =	sne.s32 s4, s16  }
.Ltmp3:
0x97: {  	[bflag:$0x0] =	sbarrier.arrive $0xFFFF;
	s24 =	sshrl.u32 s9, $0x3;
	(pc) =	sbr.rel @p0 .LBB2_1-.Ltmp3, $4  }
0x98: {  	[hbm:s15], [sflag:s23] =	dma.local [spmem:s24], $0x2800  }
0x99: {  	_ =	swait.ge [sflag:s18], $0x2800  }
0x9a: {  	[sflag:s18] =	ssyncset.done $0x0  }
0x9b: {  	[sflag:s18] =	ssyncadd.s32 $0xFFFFD800  }
0x9c: {  	_ =	sfence.sel $0x180000  }
0x9d: {  	[bflag:$0x0] =	sbarrier.arrive $0xFFFF  }
0x9e: {  	p0 =	sne.s32 s3, $0x0;
	_ =	strace $0x9000004D  }
0x9f: {  	s0 =	sadd.s32 @!p0 $0x100000, s0;
	[bflag:$0x2] =	sbarrier.arrive $0xFFFF  }
0xa0: {  	[sflag:s0] =	ssyncadd.tile.s32 @!p0 $0x1;
	_ =	shalt  }
.Lfunc_end2:
_tile_overlayer_lowered:
.L_overlay_start_2:
0xa1: {  	(tag) =	ssettag $0x2  }
0xa2: {  	s0 =	rddreg [dreg:$0x0];
	s2 =	stileid.u32  }
0xa3: {  	s1 =	rddreg [dreg:$0x1];
	p0 =	sne.s32 s2, $0x0  }
0xa4: {  	s3 =	rddreg [dreg:$0x2];
	[bflag:$0x3] =	sbarrier.arrive $0xFFFF;
	s2 =	simm.s32 @!p0 $0x1C02  }
0xa5: {  	[timem:s3], [sflag:s2] =	dma.local @!p0 [hbm:s0], s1  }
0xa6: {  	s0 =	simm.s32 @!p0 $0x2  }
0xa7: {  	_ =	swait.ge @!p0 [sflag:s0], s1  }
0xa8: {  	s1 =	ssub.s32 @!p0 $0x0, s1;
	[sflag:s0] =	ssyncset.done @!p0 $0x0  }
0xa9: {  	[sflag:s0] =	ssyncadd.s32 @!p0 s1  }
0xaa: {  	[bflag:$0x3] =	sbarrier.arrive $0xFFFF  }
0xab: {  	_ =	shalt  }

// kernel: kernel.8.cloned.1.call-start
scs
__scs_entry_jumppad:
0x0: {  	(pc) =	sbr.rel $0x88, $3  }
0x1: {  	(tag) =	ssettag $0x0;
	lr =	simm.s32 $0x1  }
0x2: {  	[smem:$0x3F99] =	sst lr;
	_ =	strace $0xD0000000  }
0x3: {  	_ = 	snop  }
0x4: {  	_ = 	snop  }
0x5: {  	_ = 	snop  }
0x6: {  	_ = 	snop  }
0x7: {  	_ = 	snop  }
__scs_overlays_trampoline_lowered:
0x8: {  	[smem:$0x3FA8] =	sst s0  }
0x9: {  	[smem:$0x3FA9] =	sst s1  }
0xa: {  	[smem:$0x3FAA] =	sst s2  }
0xb: {  	[smem:$0x3FAB] =	sst s3  }
0xc: {  	[smem:$0x3FAC] =	sst s4  }
0xd: {  	[smem:$0x3FAD] =	sst s5  }
0xe: {  	[smem:$0x3FAE] =	sst s6  }
0xf: {  	[smem:$0x3FAF] =	sst s7  }
0x10: {  	[smem:$0x3FB0] =	sst s8  }
0x11: {  	[smem:$0x3FB1] =	sst s9;
	s0 =	simm.s32 @!p0 $0x0  }
0x12: {  	s1 =	sld [smem:$0x3F97];
	s0 =	simm.s32 @p0 $0x1  }
0x13: {  	[smem:$0x3FB2] =	sst s0;
	s0 =	simm.s32 @!p1 $0x0  }
0x14: {  	s2 =	sld [smem:$0x3F96];
	s0 =	simm.s32 @p1 $0x1  }
0x15: {  	[smem:$0x3FB3] =	sst s0;
	s0 =	simm.s32 @!p2 $0x0  }
0x16: {  	s3 =	sld [smem:$0x3FDB];
	s0 =	simm.s32 @p2 $0x1  }
0x17: {  	s4 =	simm.s32 $0x1BF5;
	[smem:$0x3FB5] =	sst s0  }
0x18: {  	s0 =	sld [smem:$0x3F98];
	_ =	swait.ge [sflag:s4], $0x0  }
0x19: {  	s7 =	sld [smem:$0x3F99]  }
0x1a: {  	s8 =	sadd.s32 $0xFFFFE003, lr  }
0x1b: {  	s9 =	sadd.s32 $0xFFFFFEF7, lr;
	s5 =	simm.s32 $0xFFFFFFFF;
	p2 =	slt.u32 s8, $0xFFFFF086  }
0x1c: {  	p1 =	slt.u32 s9, $0xF7A;
	s5 =	simm.s32 @!p2 $0x0  }
0x1d: {  	s5 =	simm.s32 @p1 $0x1;
	p0 =	seq.s32 s7, s2  }
0x1e: {  	s7 =	smul.u32 @!p0 $0xF7A, s2;
	p2 =	seq.s32 @!p0 s5, $0x0  }
0x1f: {  	s9 =	smul.u32 $0xF7A, s1;
	s8 =	simm.s32 @!p0 $0x1BF5;
	p2 =	por !p2, p0  }
0x20: {  	[sflag:s8] =	ssyncset.s32 @!p0 $0xFFFFF086;
	s6 =	sadd.s32 @!p0 s3, s7;
	s7 =	simm.s32 @!p0 $0x108  }
0x21: {  	s3 =	sadd.s32 s3, s9;
	s6 =	sadd.s32 @!p0 $0x88, s6;
	s7 =	simm.s32 @p2 $0x1082  }
0x22: {  	[simem:s7], [sflag:s8] =	dma.local @!p0 [hbm:s6], $0xF7A  }
0x23: {  	s9 =	sor.u32 $0xD0000000, s2;
	s6 =	simm.s32 $0x108;
	_ =	swait.ge @!p0 [sflag:s8], $0x0  }
0x24: {  	s3 =	sadd.s32 $0x88, s3;
	s6 =	simm.s32 @!p1 $0x1082;
	[sflag:s4] =	ssyncset.s32 $0xFFFFF086  }
0x25: {  	[simem:s6], [sflag:s4] =	dma.local [hbm:s3], $0xF7A  }
0x26: {  	[smem:$0x3F99] =	sst s1;
	(tag) =	ssettag s2;
	_ =	strace s9  }
0x27: {  	s1 =	sld [smem:$0x3FA9]  }
0x28: {  	s2 =	sld [smem:$0x3FAA]  }
0x29: {  	s4 =	sld [smem:$0x3FAC]  }
0x2a: {  	p0 =	seq.s32 s5, $0x0;
	s5 =	sld [smem:$0x3FAD]  }
0x2b: {  	s6 =	sld [smem:$0x3FAE]  }
0x2c: {  	s7 =	sld [smem:$0x3FAF]  }
0x2d: {  	s3 =	simm.s32 $0x108;
	s8 =	sld [smem:$0x3FB0]  }
0x2e: {  	s3 =	simm.s32 @!p0 $0x1082;
	s9 =	sld [smem:$0x3FB1]  }
0x2f: {  	lr =	sadd.s32 s0, s3;
	s0 =	sld [smem:$0x3FA8]  }
0x30: {  	s3 =	sld [smem:$0x3FAB]  }
0x31: {  	[smem:$0x3FB4] =	sst s10  }
0x32: {  	s10 =	sld [smem:$0x3FB2];
	_ =	sdelay $0x3  }
0x33: {  	p0 =	seq.s32 s10, $0x1;
	s10 =	sld [smem:$0x3FB4];
	_ =	sdelay $0x3  }
0x34: {  	[smem:$0x3FB4] =	sst s10  }
0x35: {  	s10 =	sld [smem:$0x3FB3];
	_ =	sdelay $0x3  }
0x36: {  	p1 =	seq.s32 s10, $0x1;
	s10 =	sld [smem:$0x3FB4];
	_ =	sdelay $0x3  }
0x37: {  	[smem:$0x3FB4] =	sst s10  }
0x38: {  	s10 =	sld [smem:$0x3FB5]  }
0x39: {  	_ = 	snop;
	(pc) =	sbr.ind lr, $3  }
0x3a: {  	_ = 	snop  }
0x3b: {  	_ = 	snop  }
0x3c: {  	p2 =	seq.s32 s10, $0x1;
	s10 =	sld [smem:$0x3FB4]  }
0x3d: {  	_ =	shalt  }
0x3e: {  	_ =	shalt  }
0x3f: {  	_ =	shalt  }
0x40: {  	_ =	shalt  }
0x41: {  	_ =	shalt  }
0x42: {  	_ =	shalt  }
0x43: {  	_ =	shalt  }
0x44: {  	_ =	shalt  }
0x45: {  	_ =	shalt  }
0x46: {  	_ =	shalt  }
0x47: {  	_ =	shalt  }
0x48: {  	_ =	shalt  }
0x49: {  	_ =	shalt  }
0x4a: {  	_ =	shalt  }
0x4b: {  	_ =	shalt  }
0x4c: {  	_ =	shalt  }
0x4d: {  	_ =	shalt  }
0x4e: {  	_ =	shalt  }
0x4f: {  	_ =	shalt  }
0x50: {  	_ =	shalt  }
0x51: {  	_ =	shalt  }
0x52: {  	_ =	shalt  }
0x53: {  	_ =	shalt  }
0x54: {  	_ =	shalt  }
0x55: {  	_ =	shalt  }
0x56: {  	_ =	shalt  }
0x57: {  	_ =	shalt  }
0x58: {  	_ =	shalt  }
0x59: {  	_ =	shalt  }
0x5a: {  	_ =	shalt  }
0x5b: {  	_ =	shalt  }
0x5c: {  	_ =	shalt  }
0x5d: {  	_ =	shalt  }
0x5e: {  	_ =	shalt  }
0x5f: {  	_ =	shalt  }
0x60: {  	_ =	shalt  }
0x61: {  	_ =	shalt  }
0x62: {  	_ =	shalt  }
0x63: {  	_ =	shalt  }
0x64: {  	_ =	shalt  }
0x65: {  	_ =	shalt  }
0x66: {  	_ =	shalt  }
0x67: {  	_ =	shalt  }
0x68: {  	_ =	shalt  }
0x69: {  	_ =	shalt  }
0x6a: {  	_ =	shalt  }
0x6b: {  	_ =	shalt  }
0x6c: {  	_ =	shalt  }
0x6d: {  	_ =	shalt  }
0x6e: {  	_ =	shalt  }
0x6f: {  	_ =	shalt  }
0x70: {  	_ =	shalt  }
0x71: {  	_ =	shalt  }
0x72: {  	_ =	shalt  }
0x73: {  	_ =	shalt  }
0x74: {  	_ =	shalt  }
0x75: {  	_ =	shalt  }
0x76: {  	_ =	shalt  }
0x77: {  	_ =	shalt  }
0x78: {  	_ =	shalt  }
0x79: {  	_ =	shalt  }
0x7a: {  	_ =	shalt  }
0x7b: {  	_ =	shalt  }
0x7c: {  	_ =	shalt  }
0x7d: {  	_ =	shalt  }
0x7e: {  	_ =	shalt  }
0x7f: {  	_ =	shalt  }
0x80: {  	_ =	shalt  }
0x81: {  	_ =	shalt  }
0x82: {  	_ =	shalt  }
0x83: {  	_ =	shalt  }
0x84: {  	_ =	shalt  }
0x85: {  	_ =	shalt  }
0x86: {  	_ =	shalt  }
0x87: {  	_ =	shalt  }
.Lfunc_end0:
.L_simem_size_0:
called_computation_lowered:
.L_overlay_start_0:
0x88: {  	s2 =	sld [smem:$0x3FD9]  }
0x89: {  	s3 =	sld [smem:$0x3FFE];
	_ =	sdelay $0x1  }
0x8a: {  	s1 =	srdreg.scid  }
0x8b: {  	s0 =	sand.u32 $0x1, s1  }
0x8c: {  	s17 =	sshll.u32 s0, $0xA;
	s2 =	sadd.s32 s3, s2  }
0x8d: {  	s2 =	sadd.s32 s2, s17  }
0x8e: {  	[smem:$0x3FC0] =	sst s2  }
0x8f: {  	_ = 	snop  }
0x90: {  	s2 =	sld [smem:$0x3FC3];
	(tm) =	ssettm $0x1  }
0x91: {  	s18 =	sld [smem:$0x3FFB];
	_ =	sdelay $0x3  }
0x92: {  	_ =	strace s18  }
0x93: {  	s3 =	sld [smem:$0x3FFC];
	_ =	sdelay $0x3  }
0x94: {  	_ =	strace s3  }
0x95: {  	s3 =	sld [smem:$0x3FFD];
	_ =	sdelay $0x3  }
0x96: {  	_ =	strace s3  }
0x97: {  	_ =	strace $0x8FFFFFFF  }
0x98: {  	s19 =	sld [smem:$0x3FDB];
	_ =	sdelay $0x1  }
0x99: {  	s4 =	simm.s32 $_scs_section_size  }
0x9a: {  	s5 =	simm.s32 $_size__tile_overlayer_lowered;
	s6 =	simm.s32 $_tile_overlayer_lowered  }
0x9b: {  	s22 =	simm.s32 $0x1BFF;
	s21 =	sshll.u32 s6, $0x1;
	s3 =	sadd.s32 s4, s19  }
0x9c: {  	s7 =	simm.s32 $0x0;
	s20 =	sshll.u32 s5, $0x1;
	s5 =	sadd.s32 s21, s3  }
0x9d: {  	[timem:s7], [sflag:s22] =	dma.local [hbm:s5], s20  }
0x9e: {  	_ =	swait.ge [sflag:s22], s20  }
0x9f: {  	s4 =	ssub.s32 $0x0, s20;
	[sflag:s22] =	ssyncset.done $0x0  }
0xa0: {  	[sflag:s22] =	ssyncadd.s32 s4;
	_ =	sdelay $0x1  }
0xa1: {  	s23 =	simm.s32 $0x1B8B  }
0xa2: {  	_ =	swait.ge [sflag:s23], $0x1  }
0xa3: {  	[sflag:s23] =	ssyncset.done $0x0  }
0xa4: {  	s25 =	simm.s32 $0x1B8E;
	s24 =	sld [smem:$0x3FFE];
	[sflag:s23] =	ssyncadd.s32 $0xFFFFFFFF  }
0xa5: {  	s26 =	simm.s32 $execute0_lowered;
	[smem:$0x3FD2] =	sst s25  }
0xa6: {  	s5 =	sshll.u32 s26, $0x1;
	_ =	strace $0x80000046;
	[dreg:$0x1] =	wrdreg $0xFFFFFFFF  }
0xa7: {  	s28 =	simm.s32 $_size_execute0_lowered;
	s3 =	sadd.s32 s3, s5;
	[dreg:$0x0] =	wrdreg $0x0  }
0xa8: {  	s5 =	sshll.u32 s28, $0x1;
	[dreg:$0x2] =	wrdreg s3  }
0xa9: {  	[dreg:$0x3] =	wrdreg s5  }
0xaa: {  	[dreg:$0x4] =	wrdreg $0xC0  }
0xab: {  	_ =	task [dreg:s7], $0x5FFFF  }
0xac: {  	[dreg:$0x1] =	wrdreg $0xFFFFFFFF  }
0xad: {  	[dreg:$0x0] =	wrdreg $0x60  }
0xae: {  	[dreg:$0x2] =	wrdreg s2  }
0xaf: {  	[dreg:$0x3] =	wrdreg s24  }
0xb0: {  	[dreg:$0x4] =	wrdreg $0x41800  }
0xb1: {  	[dreg:$0x5] =	wrdreg $0x9  }
0xb2: {  	_ =	task.clear_ibuf [dreg:s7], $0x6FFFF;
	_ =	strace $0x90000046  }
0xb3: {  	s29 =	simm.s32 $0x9;
	_ =	strace $0x80000048  }
0xb4: {  	_ =	swait.ge [sflag:s29], $0x1  }
0xb5: {  	[sflag:s29] =	ssyncadd.s32 $0xFFFFFFFF  }
0xb6: {  	_ =	strace $0x90000048  }
0xb7: {  	_ =	sfence  }
0xb8: {  	s30 =	sld [smem:$0x0];
	_ =	sdelay $0x2  }
0xb9: {  	s31 =	sshll.u32 s1, $0xD;
	s1 =	sshrl.u32 s1, $0x2  }
0xba: {  	s3 =	sand.u32 $0x4000, s31;
	s1 =	sadd.s32 s1, s30  }
0xbb: {  	s0 =	sor.u32 s3, s0;
	s1 =	sshll.u32 s1, $0x11  }
0xbc: {  	s0 =	sor.u32 s1, s0  }
0xbd: {  	s0 =	sadd.s32 $0x8F2B, s0  }
0xbe: {  	[sflag:s0] =	ssyncadd.remote.s32 $0x1  }
0xbf: {  	_ =	sfence.sel $0xFFFF  }
0xc0: {  	[dreg:$0x0] =	wrdreg $0xFFFFFFFF;
	(pc) =	sbr.abs _section_cstart, $3  }
0xc1: {  	[dreg:$0x1] =	wrdreg $0xFFFFFFFF  }
0xc2: {  	_ =	task.clear_ibuf [dreg:s7], $0x2FFFF;
	_ =	strace $0x9FFFFFFF  }
0xc3: {  	(tm) =	ssettm $0x7FFFFFFF  }
tec
execute0_lowered:
.L_overlay_start_1:
0x0: {  	(tag) =	ssettag $0x1  }
0x1: {  	s0 =	rddreg [dreg:$0x0]  }
0x2: {  	s3 =	rddreg [dreg:$0x1]  }
0x3: {  	s1 =	srdreg.scid;
	s4 =	rddreg [dreg:$0x2]  }
0x4: {  	s2 =	stileid.u32;
	s5 =	simm.s32 $0x0;
	s16 =	simm.s32 $0x180  }
0x5: {  	s17 =	simm.s32 $0x2;
	s18 =	simm.s32 $0x80;
	s19 =	simm.s32 $0x100  }
0x6: {  	s8 =	sand.u32 $0x1, s1;
	s1 =	rddreg [dreg:$0x3];
	s7 =	smul.u32 $0x14000, s2  }
0x7: {  	s20 =	simm.s32 $0x1;
	[smem:$0x7FF] =	sst s5;
	s10 =	smul.u32 $0x50000, s2  }
0x8: {  	s12 =	sshll.u32 s2, $0x1;
	s21 =	sshll.u32 s2, $0x6;
	s6 =	smul.u32 $0x140000, s8  }
0x9: {  	_ =	strace $0x80000047;
	s31 =	ssub.s32 $0x2, s8;
	s13 =	sor.u32 s8, s12  }
0xa: {  	s21 =	sor.u32 $0x1C02, s21;
	s11 =	sshrl.u32 s31, $0x1;
	s10 =	sshrl.u32 s10, $0x2  }
0xb: {  	s13 =	smul.u32 $0x31, s13;
	s7 =	sadd.s32 s7, s6;
	s6 =	sadd.s32 $0x6200, s3  }
0xc: {  	s15 =	ssub.s32 s31, s11;
	s8 =	sadd.s32 s10, s4;
	s9 =	sshrl.u32 s7, $0x3  }
0xd: {  	s7 =	sadd.s32 $0xC400, s3;
	s10 =	sadd.s32 $0x8000, s8;
	s11 =	sadd.s32 $0xC000, s8  }
0xe: {  	s12 =	sadd.s32 $0x10000, s8;
	s15 =	smax.u32 s15, $0x1;
	s14 =	sadd.s32 s9, s3  }
0xf: {  	v0 =	vimm.f32 $0.0e+00;
	s22 =	sshrl.u32 s8, $0x3;
	s9 =	sadd.s32 $0x4000, s8;
	s14 =	sadd.s32 $0x12600, s14  }
.LBB2_1:
0x10: {  	s23 =	simm.s32 $0x0;
	s24 =	simm.s32 $0x200  }
.LBB2_2:
0x11: {  	p0 =	sne.s32 s24, $0xFE00;
	[tilespmem:s23+$0x1F0] =	vst v0  }
0x12: {  	[tilespmem:s23+$0x180] =	vst v0  }
0x13: {  	[tilespmem:s23+$0x190] =	vst v0  }
.Ltmp0:
0x14: {  	[tilespmem:s23+$0x1A0] =	vst v0;
	(pc) =	sbr.rel @p0 .LBB2_2-.Ltmp0, $4  }
0x15: {  	[tilespmem:s23+$0x1B0] =	vst v0  }
0x16: {  	[tilespmem:s23+$0x1C0] =	vst v0  }
0x17: {  	[tilespmem:s23+$0x1D0] =	vst v0  }
0x18: {  	[tilespmem:s23+$0x1E0] =	vst v0;
	s23 =	sshra.s32 s24, $0x2;
	s24 =	sadd.s32 $0x200, s24  }
0x19: {  	[tilespmem:s23+$0x1F0] =	vst v0  }
0x1a: {  	[tilespmem:s23+$0x180] =	vst v0  }
0x1b: {  	[tilespmem:s23+$0x190] =	vst v0  }
0x1c: {  	[tilespmem:s23+$0x1A0] =	vst v0  }
0x1d: {  	[tilespmem:s23+$0x1B0] =	vst v0  }
0x1e: {  	[tilespmem:s23+$0x1C0] =	vst v0  }
0x1f: {  	[tilespmem:s23+$0x1D0] =	vst v0  }
0x20: {  	[tilespmem:s23+$0x1E0] =	vst v0  }
0x21: {  	[spmem:s8] =	stream.linear.scatter [tilespmem:s16], [sflag:$0x2], $0x4000, $0x38;
	[tilespmem:$0x18180] =	vst v63  }
0x22: {  	_ =	swait.ge [sflag:s17], $0x4000  }
0x23: {  	[sflag:s17] =	ssyncset.done $0x0  }
0x24: {  	[sflag:s17] =	ssyncadd.s32 $0xFFFFC000  }
0x25: {  	[spmem:s9] =	stream.linear.scatter [tilespmem:s16], [sflag:$0x2], $0x4000, $0x38;
	[tilespmem:$0x18180] =	vst v63  }
0x26: {  	_ =	swait.ge [sflag:s17], $0x4000  }
0x27: {  	[sflag:s17] =	ssyncset.done $0x0  }
0x28: {  	[sflag:s17] =	ssyncadd.s32 $0xFFFFC000  }
0x29: {  	[spmem:s10] =	stream.linear.scatter [tilespmem:s16], [sflag:$0x2], $0x4000, $0x38;
	[tilespmem:$0x18180] =	vst v63  }
0x2a: {  	_ =	swait.ge [sflag:s17], $0x4000  }
0x2b: {  	[sflag:s17] =	ssyncset.done $0x0  }
0x2c: {  	[sflag:s17] =	ssyncadd.s32 $0xFFFFC000  }
0x2d: {  	[spmem:s11] =	stream.linear.scatter [tilespmem:s16], [sflag:$0x2], $0x4000, $0x38;
	[tilespmem:$0x18180] =	vst v63  }
0x2e: {  	_ =	swait.ge [sflag:s17], $0x4000  }
0x2f: {  	[sflag:s17] =	ssyncset.done $0x0  }
0x30: {  	[sflag:s17] =	ssyncadd.s32 $0xFFFFC000  }
0x31: {  	[spmem:s12] =	stream.linear.scatter [tilespmem:s16], [sflag:$0x2], $0x4000, $0x38;
	[tilespmem:$0x18180] =	vst v63  }
0x32: {  	_ =	swait.ge [sflag:s17], $0x4000  }
0x33: {  	[sflag:s17] =	ssyncset.done $0x0  }
0x34: {  	[sflag:s17] =	ssyncadd.s32 $0xFFFFC000  }
0x35: {  	s23 =	simm.s32 $0x0;
	s24 =	simm.s32 $0x0;
	[bflag:$0x0] =	sbarrier.arrive $0xFFFF  }
.LBB2_4:
0x36: {  	s25 =	sadd.s32 s13, s24  }
0x37: {  	s25 =	sshll.u32 s25, $0x4  }
0x38: {  	s26 =	sadd.s32 s3, s25  }
0x39: {  	[tilespmem:s23], [sflag:$0x2] =	stream.linear.gather [hbm4b:s26+s23], $0x80, $0x38;
	[tilespmem:$0x18180] =	vst v63  }
0x3a: {  	_ =	swait.ge [sflag:s17], $0x80  }
0x3b: {  	[sflag:s17] =	ssyncset.done $0x0  }
0x3c: {  	s31 =	sadd.s32 s6, s25;
	[sflag:s17] =	ssyncadd.s32 $0xFFFFFF80  }
0x3d: {  	[tilespmem:s18], [sflag:$0x2] =	stream.linear.gather [hbm4b:s31+s23], $0x80, $0x38;
	[tilespmem:$0x18180] =	vst v63  }
0x3e: {  	_ =	swait.ge [sflag:s17], $0x80  }
0x3f: {  	[sflag:s17] =	ssyncset.done $0x0  }
0x40: {  	s25 =	sadd.s32 s7, s25;
	[sflag:s17] =	ssyncadd.s32 $0xFFFFFF80  }
0x41: {  	[tilespmem:s19], [sflag:$0x2] =	stream.linear.gather [hbm4b:s25+s23], $0x80, $0x38;
	[tilespmem:$0x18180] =	vst v63  }
0x42: {  	_ =	swait.ge [sflag:s17], $0x80  }
0x43: {  	[sflag:s17] =	ssyncset.done $0x0  }
0x44: {  	[sflag:s17] =	ssyncadd.s32 $0xFFFFFF80  }
0x45: {  	[tilespmem:s16], [sflag:$0x1] =	stream.indirect.gather [hbm4b:s0+s18], $0x80, s23, s18, $0xb8;
	[tilespmem:$0x18180] =	vst v63  }
0x46: {  	_ =	swait.ge [sflag:s20], $0x4000  }
0x47: {  	v1 =	vmov s23;
	[sflag:s20] =	ssyncset.done $0x0  }
0x48: {  	s25 =	simm.s32 $0x1C0;
	[sflag:s20] =	ssyncadd.s32 $0xFFFFC000  }
0x49: {  	v5 =	vld [tilespmem:s25+$0x30]  }
0x4a: {  	v8 =	vld [tilespmem:s25+$0x10]  }
0x4b: {  	v6 =	vld [tilespmem:s25+$0xFFFFFFC0]  }
0x4c: {  	v2 =	vld.idx.msk [tilespmem:v1+s19+$0x0], $0xffff  }
0x4d: {  	v10 =	vld [tilespmem:s25+$0xFFFFFFE0]  }
0x4e: {  	v1 =	vld [tilespmem:s25+$0xFFFFFFF0]  }
0x4f: {  	v3 =	vld [tilespmem:s25+$0x20]  }
0x50: {  	v4 =	vld [tilespmem:s25+$0xFFFFFFD0]  }
0x51: {  	v9 =	vmul.f32 v5, v2;
	v5 =	vld [tilespmem:s25+$0x0]  }
0x52: {  	v7 =	vmul.f32 v6, v2  }
0x53: {  	s28 =	simm.s32 $0x1C0;
	s26 =	simm.s32 $0x1;
	v6 =	vmul.f32 v10, v2;
	v8 =	vmul.f32 v8, v2  }
.LBB2_5:
0x54: {  	p0 =	sne.s32 s26, $0x7F  }
0x55: {  	v4 =	vmul.f32 v4, v2;
	v3 =	vmul.f32 v3, v2;
	[tilespmem:s25+$0x30] =	vst v9;
	s28 =	sadd.s32 $0x80, s28;
	s29 =	smov.u32 s26;
	s26 =	sadd.s32 $0x1, s26  }
0x56: {  	[tilespmem:s25+$0xFFFFFFC0] =	vst v7;
	v7 =	vmul.f32 v1, v2;
	v2 =	vmul.f32 v5, v2  }
0x57: {  	[tilespmem:s25+$0x10] =	vst v8  }
0x58: {  	v5 =	vmov s29;
	[tilespmem:s25+$0xFFFFFFE0] =	vst v6  }
0x59: {  	v1 =	vld [tilespmem:s28+$0xFFFFFFF0];
	[tilespmem:s25+$0xFFFFFFF0] =	vst v7  }
0x5a: {  	v6 =	vld [tilespmem:s28+$0x30];
	[tilespmem:s25+$0x0] =	vst v2  }
0x5b: {  	v8 =	vld [tilespmem:s28+$0x10];
	[tilespmem:s25+$0x20] =	vst v3  }
0x5c: {  	v7 =	vld [tilespmem:s28+$0xFFFFFFC0];
	[tilespmem:s25+$0xFFFFFFD0] =	vst v4;
	s25 =	smov.u32 s28  }
0x5d: {  	v2 =	vld.idx.msk [tilespmem:v5+s19+$0x0], $0xffff  }
0x5e: {  	v10 =	vld [tilespmem:s28+$0xFFFFFFE0]  }
0x5f: {  	v3 =	vld [tilespmem:s28+$0x20]  }
.Ltmp1:
0x60: {  	v4 =	vld [tilespmem:s28+$0xFFFFFFD0];
	(pc) =	sbr.rel @p0 .LBB2_5-.Ltmp1, $3  }
0x61: {  	v5 =	vld [tilespmem:s28+$0x0];
	_ =	sdelay $0x1  }
0x62: {  	v7 =	vmul.f32 v7, v2;
	v9 =	vmul.f32 v6, v2  }
0x63: {  	v8 =	vmul.f32 v8, v2;
	v6 =	vmul.f32 v10, v2  }
0x64: {  	[tilespmem:s25+$0x30] =	vst v9  }
0x65: {  	[tilespmem:s25+$0xFFFFFFC0] =	vst v7  }
0x66: {  	v1 =	vmul.f32 v1, v2;
	[tilespmem:s25+$0x10] =	vst v8  }
0x67: {  	v3 =	vmul.f32 v3, v2;
	[tilespmem:s25+$0xFFFFFFE0] =	vst v6  }
0x68: {  	v5 =	vmul.f32 v5, v2;
	[tilespmem:s25+$0xFFFFFFF0] =	vst v1  }
0x69: {  	s24 =	sadd.s32 $0x1, s24;
	v1 =	vmul.f32 v4, v2;
	[tilespmem:s25+$0x20] =	vst v3  }
0x6a: {  	p0 =	sne.s32 s24, $0x31;
	[tilespmem:s25+$0x0] =	vst v5  }
.Ltmp2:
0x6b: {  	[tilespmem:s25+$0xFFFFFFD0] =	vst v1;
	(pc) =	sbr.rel @p0 .LBB2_4-.Ltmp2, $4  }
0x6c: {  	[spmem:s4] =	stream.indirect.scatter.add.f32 [tilespmem:s16], [sflag:$0x2], $0x80, s18, s18, $0xb8;
	[tilespmem:$0x18180] =	vst v63  }
0x6d: {  	_ =	swait.ge [sflag:s17], $0x4000  }
0x6e: {  	[sflag:s17] =	ssyncset.done $0x0  }
0x6f: {  	[sflag:s17] =	ssyncadd.s32 $0xFFFFC000  }
0x70: {  	s5 =	sadd.s32 $0x1, s5  }
0x71: {  	p0 =	sne.s32 s5, s15  }
.Ltmp3:
0x72: {  	[bflag:$0x0] =	sbarrier.arrive $0xFFFF;
	(pc) =	sbr.rel @p0 .LBB2_1-.Ltmp3, $4  }
0x73: {  	[hbm:s14], [sflag:s21] =	dma.local [spmem:s22], $0x2800  }
0x74: {  	_ =	swait.ge [sflag:s17], $0x2800  }
0x75: {  	[sflag:s17] =	ssyncset.done $0x0  }
0x76: {  	[sflag:s17] =	ssyncadd.s32 $0xFFFFD800  }
0x77: {  	_ =	sfence.sel $0x180000  }
0x78: {  	[bflag:$0x0] =	sbarrier.arrive $0xFFFF  }
0x79: {  	p0 =	sne.s32 s2, $0x0;
	_ =	strace $0x90000047  }
0x7a: {  	s0 =	sadd.s32 @!p0 $0x100000, s1;
	[bflag:$0x2] =	sbarrier.arrive $0xFFFF  }
0x7b: {  	[sflag:s0] =	ssyncadd.tile.s32 @!p0 $0x1;
	_ =	shalt  }
.Lfunc_end2:
_tile_overlayer_lowered:
.L_overlay_start_2:
0x7c: {  	(tag) =	ssettag $0x2  }
0x7d: {  	s0 =	rddreg [dreg:$0x0];
	s2 =	stileid.u32  }
0x7e: {  	s1 =	rddreg [dreg:$0x1];
	p0 =	sne.s32 s2, $0x0  }
0x7f: {  	s3 =	rddreg [dreg:$0x2];
	[bflag:$0x3] =	sbarrier.arrive $0xFFFF;
	s2 =	simm.s32 @!p0 $0x1C02  }
0x80: {  	[timem:s3], [sflag:s2] =	dma.local @!p0 [hbm:s0], s1  }
0x81: {  	s0 =	simm.s32 @!p0 $0x2  }
0x82: {  	_ =	swait.ge @!p0 [sflag:s0], s1  }
0x83: {  	s1 =	ssub.s32 @!p0 $0x0, s1;
	[sflag:s0] =	ssyncset.done @!p0 $0x0  }
0x84: {  	[sflag:s0] =	ssyncadd.s32 @!p0 s1  }
0x85: {  	[bflag:$0x3] =	sbarrier.arrive $0xFFFF  }
0x86: {  	_ =	shalt  }

</sc_bundles>
